<compile_context>
chip_gen: v7x
topology: tpu7x:2x2x1
jax: 0.10.2.dev20260603
libtpu: 0.0.44.dev20260713+nightly
codegen_flags: <defaults>
</compile_context>

<pallas_src>
import jax
import jax.numpy as jnp
from jax import lax
from jax.experimental import pallas as pl
from jax.experimental.pallas import tpu as pltpu
from jax.experimental.pallas import tpu_sc as plsc

N_NODES = 10000
N_EDGES = 320000
D = 128

NC = 2
NS = 16
NW = NC * NS
L = 16

CH = 128
K = 80
R = 2
K2 = K // R
E_PAD = NW * K * CH
NPAD = 10240
RPT = NPAD // NS

_MESH = plsc.VectorSubcoreMesh(core_axis_name="c", subcore_axis_name="s")


def _zero_f32(ref, nrows, ncols):
    @pl.loop(0, nrows)
    def _(i):
        @pl.loop(0, ncols, step=L)
        def _(j):
            ref[i, pl.ds(j, L)] = jnp.zeros((L,), jnp.float32)


def _seg_sum_body(src_hbm, dst_hbm, table_hbm, out_hbm, *rest):
    (srcv, dstv, buf_a, buf_b, acc, sem_a, sem_b) = rest
    c = lax.axis_index("c")
    s = lax.axis_index("s")
    w = s * NC + c
    base = s * RPT

    _zero_f32(buf_a, CH, D)

    @pl.loop(0, RPT, step=CH)
    def _(r):
        pltpu.sync_copy(buf_a.at[pl.ds(0, CH)], acc.at[pl.ds(base + r, CH)])

    plsc.subcore_barrier()

    for r in range(R):
        pltpu.sync_copy(src_hbm.at[w, pl.ds(r * K2, K2)], srcv)
        pltpu.sync_copy(dst_hbm.at[w, pl.ds(r * K2, K2)], dstv)

        pltpu.async_copy(table_hbm.at[srcv.at[0]], buf_a, sem_a)
        pltpu.async_copy(table_hbm.at[srcv.at[1]], buf_b, sem_b)

        @pl.loop(0, K2, step=2)
        def _(j):
            pltpu.make_async_copy(table_hbm.at[pl.ds(0, CH)], buf_a, sem_a).wait()
            pltpu.sync_copy(buf_a, acc.at[dstv.at[j]], add=True)
            jn = jnp.where(j + 2 < K2, j + 2, 0)
            pltpu.async_copy(table_hbm.at[srcv.at[jn]], buf_a, sem_a)

            pltpu.make_async_copy(table_hbm.at[pl.ds(0, CH)], buf_b, sem_b).wait()
            pltpu.sync_copy(buf_b, acc.at[dstv.at[j + 1]], add=True)
            jm = jnp.where(j + 3 < K2, j + 3, 0)
            pltpu.async_copy(table_hbm.at[srcv.at[jm]], buf_b, sem_b)

        pltpu.make_async_copy(table_hbm.at[pl.ds(0, CH)], buf_a, sem_a).wait()
        pltpu.make_async_copy(table_hbm.at[pl.ds(0, CH)], buf_b, sem_b).wait()

    plsc.subcore_barrier()

    @pl.loop(0, RPT, step=CH)
    def _(r):
        pltpu.sync_copy(acc.at[pl.ds(base + r, CH)],
                        out_hbm.at[c, pl.ds(base + r, CH)])


_seg_sum = pl.kernel(
    _seg_sum_body,
    mesh=_MESH,
    out_type=jax.ShapeDtypeStruct((NC, NPAD, D), jnp.float32),
    scratch_types=[
        pltpu.VMEM((K2, CH), jnp.int32),
        pltpu.VMEM((K2, CH), jnp.int32),
        pltpu.VMEM((CH, D), jnp.float32),
        pltpu.VMEM((CH, D), jnp.float32),
        pltpu.VMEM_SHARED((NPAD, D), jnp.float32),
        pltpu.SemaphoreType.DMA,
        pltpu.SemaphoreType.DMA,
    ],
)


def _deg_body(dst_hbm, deg_hbm, dstv, onesv, dacc):
    c = lax.axis_index("c")
    s = lax.axis_index("s")
    w = c * NS + s
    base = s * RPT

    pltpu.sync_copy(dst_hbm.at[w], dstv)

    _zero_f32(onesv, CH, D)

    @pl.loop(0, RPT, step=CH)
    def _(r):
        pltpu.sync_copy(onesv.at[pl.ds(0, CH)], dacc.at[pl.ds(base + r, CH)])

    @pl.loop(0, CH)
    def _(i):
        @pl.loop(0, D, step=L)
        def _(jj):
            onesv[i, pl.ds(jj, L)] = jnp.ones((L,), jnp.float32)

    plsc.subcore_barrier()

    @pl.loop(0, K)
    def _(j):
        pltpu.sync_copy(onesv, dacc.at[dstv.at[j]], add=True)

    plsc.subcore_barrier()

    @pl.loop(0, RPT, step=CH)
    def _(r):
        pltpu.sync_copy(dacc.at[pl.ds(base + r, CH)],
                        deg_hbm.at[c, pl.ds(base + r, CH)])


_deg_sum = pl.kernel(
    _deg_body,
    mesh=_MESH,
    out_type=jax.ShapeDtypeStruct((NC, NPAD, D), jnp.float32),
    scratch_types=[
        pltpu.VMEM((K, CH), jnp.int32),
        pltpu.VMEM((CH, D), jnp.float32),
        pltpu.VMEM_SHARED((NPAD, D), jnp.float32),
    ],
)


BM = 400


def _tc_body1(p0, p1, h, d0, d1, wt, b, o1, o2):
    inv = 1.0 / (d0[:, 0:1] + d1[:, 0:1] + 1.0)
    x = (p0[...] + p1[...] + h[...]) * inv
    y = jnp.dot(x, wt[...], preferred_element_type=jnp.float32) + b[...]
    o1[...] = y
    o2[...] = jnp.maximum(y, 0.0)


def _tc_body2(p0, p1, h, d0, d1, wt, b, o1):
    inv = 1.0 / (d0[:, 0:1] + d1[:, 0:1] + 1.0)
    x = (p0[...] + p1[...] + h[...]) * inv
    o1[...] = jnp.dot(x, wt[...], preferred_element_type=jnp.float32) + b[...]


def _tc_layer(p, dp, h, wt, b, relu):
    grid = (N_NODES // BM,)
    row = pl.BlockSpec((BM, D), lambda i: (i, 0))
    deg = pl.BlockSpec((BM, D), lambda i: (i, 0))
    full = pl.BlockSpec((D, D), lambda i: (0, 0))
    bias = pl.BlockSpec((1, D), lambda i: (0, 0))
    out = jax.ShapeDtypeStruct((N_NODES, D), jnp.float32)
    if relu:
        return pl.pallas_call(
            _tc_body1,
            grid=grid,
            in_specs=[row, row, row, deg, deg, full, bias],
            out_specs=[row, row],
            out_shape=[out, out],
        )(p[0], p[1], h, dp[0], dp[1], wt, b)
    return pl.pallas_call(
        _tc_body2,
        grid=grid,
        in_specs=[row, row, row, deg, deg, full, bias],
        out_specs=row,
        out_shape=out,
    )(p[0], p[1], h, dp[0], dp[1], wt, b)


def kernel(feats, edge_index, W1, b1, W2, b2):
    src = edge_index[0].astype(jnp.int32)
    dst = edge_index[1].astype(jnp.int32)
    pad = E_PAD - N_EDGES
    spread = jnp.arange(pad, dtype=jnp.int32) % (NPAD - N_NODES)
    src3 = jnp.concatenate([src, spread]).reshape(NW, K, CH)
    dst3 = jnp.concatenate([dst, N_NODES + spread]).reshape(NW, K, CH)
    w1t = W1.T
    w2t = W2.T
    b1r = b1.reshape(1, D)
    b2r = b2.reshape(1, D)

    dp = _deg_sum(dst3)
    p1 = _seg_sum(src3, dst3, feats)
    h1, r = _tc_layer(p1, dp, feats, w1t, b1r, True)
    p2 = _seg_sum(src3, dst3, r)
    h2 = _tc_layer(p2, dp, r, w2t, b2r, False)
    return (h1, h2)

# --- scband reference (transcript-rebuilt; emitter-appended) ---
"""Pipeline reference for scband-sage-8014408974454 (READ-ONLY COPY).

The authoritative reference and input builder live on the scoring server;
editing this copy changes nothing except your own understanding.
"""

import jax, jax.numpy as jnp
import numpy as np

N_NODES = 10000
N_EDGES = 320000
D_IN = 128
D_HID = 128
D_OUT = 128


def setup_inputs(seed: int = 0) -> dict:
    key = jax.random.key(seed)
    k1, k2, k3, k4 = jax.random.split(key, 4)
    feats = jax.random.normal(k1, (N_NODES, D_IN), dtype=jnp.float32)
    edge_index = jax.random.randint(k2, (2, N_EDGES), 0, N_NODES, dtype=jnp.int64)
    W1 = jax.random.normal(k3, (D_HID, D_IN), dtype=jnp.float32) * 0.05
    b1 = jnp.zeros((D_HID,), dtype=jnp.float32)
    W2 = jax.random.normal(k4, (D_OUT, D_HID), dtype=jnp.float32) * 0.05
    b2 = jnp.zeros((D_OUT,), dtype=jnp.float32)
    return {"feats": feats, "edge_index": edge_index, "W1": W1, "b1": b1, "W2": W2, "b2": b2}


def _sage_conv_gcn(h, src, dst, W, b, n_nodes):
    # DGL SAGEConv with aggregator_type='gcn':
    # h_neigh = (sum_{j in N(i)} h_j + h_i) / (in_degree(i) + 1); out = fc_neigh(h_neigh)
    msgs = jnp.take(h, src, axis=0)
    agg = jnp.zeros((n_nodes, h.shape[1]), dtype=h.dtype).at[dst].add(msgs)
    deg = jnp.zeros((n_nodes,), dtype=h.dtype).at[dst].add(1.0)
    h_neigh = (agg + h) / (deg[:, None] + 1.0)
    return h_neigh @ W.T + b


def reference(feats, edge_index, W1, b1, W2, b2):
    # Two-layer SAGE, norm_type='none', activation=relu, dropout=0 (identity in eval).
    # Each 'block' is the full graph: num_dst_nodes == N_NODES, so h_dst == h.
    src = edge_index[0]
    dst = edge_index[1]
    h_list = []
    h1 = _sage_conv_gcn(feats, src, dst, W1, b1, N_NODES)
    h_list.append(h1)
    h = jax.nn.relu(h1)
    h = _sage_conv_gcn(h, src, dst, W2, b2, N_NODES)
    return (h_list[0], h)

if __name__ == "__main__":
    import jax
    _d = setup_inputs()
    print(jax.jit(kernel)(*tuple(_d.values())))

</pallas_src>

<mosaic_0001>
#map = affine_map<(d0, d1) -> (0, 0, 0)>
module attributes {stable_mosaic.version = 14 : i64} {
  func.func @_deg_body(%arg0: i32, %arg1: i32, %arg2: memref<32x80x128xi32, #tpu.memory_space<hbm>>, %arg3: memref<2x10240x128xf32, #tpu.memory_space<hbm>>, %arg4: memref<80x128xi32, #tpu.memory_space<vmem>>, %arg5: memref<128x128xf32, #tpu.memory_space<vmem>>, %arg6: memref<10240x128xf32, #tpu.memory_space<vmem_shared>>) attributes {dimension_semantics = [#tpu.dimension_semantics<core_parallel>, #tpu.dimension_semantics<subcore_parallel>], iteration_bounds = array<i64: 2, 16>, scalar_prefetch = 0 : i64, scratch_operands = 3 : i64, tpu.core_type = #tpu.core_type<sc_vector_subcore>, window_params = [{transform_indices = #map}, {transform_indices = #map}]} {
    %mul3A = arith.constant 16 : i32
    %mul3A_0 = arith.muli %arg0, %mul3A : i32
    %add3A = arith.addi %mul3A_0, %arg1 : i32
    %mul3A_1 = arith.constant 640 : i32
    %mul3A_2 = arith.muli %arg1, %mul3A_1 : i32
    "tpu.region"() ({
      %run_scoped3A = tpu.sem_alloc : memref<!tpu.dma_semaphore, #tpu.memory_space<semaphore_mem>>
      %dma_start3A = arith.constant 0 : i32
      %dma_start3A_28 = arith.constant 0 : i32
      %dma_start3A_29 = tpu.memref_slice %arg2[%add3A, %dma_start3A, %dma_start3A_28] : memref<32x80x128xi32, #tpu.memory_space<hbm>> -> memref<1x80x128xi32, #tpu.memory_space<hbm>>
      %dma_start3A_30 = tpu.memref_squeeze %dma_start3A_29 : memref<1x80x128xi32, #tpu.memory_space<hbm>> -> memref<80x128xi32, #tpu.memory_space<hbm>>
      %dma_start3A_31 = arith.constant 0 : i32
      %dma_start3A_32 = arith.constant 0 : i32
      %dma_start3A_33 = tpu.memref_slice %arg2[%add3A, %dma_start3A_31, %dma_start3A_32] : memref<32x80x128xi32, #tpu.memory_space<hbm>> -> memref<1x80x128xi32, #tpu.memory_space<hbm>>
      %dma_start3A_34 = tpu.memref_squeeze %dma_start3A_33 : memref<1x80x128xi32, #tpu.memory_space<hbm>> -> memref<80x128xi32, #tpu.memory_space<hbm>>
      tpu.enqueue_dma source(%dma_start3A_34 : memref<80x128xi32, #tpu.memory_space<hbm>>) target(%arg4 : memref<80x128xi32, #tpu.memory_space<vmem>>) target_semaphore(%run_scoped3A : memref<!tpu.dma_semaphore, #tpu.memory_space<semaphore_mem>>)
      %dma_wait3A = arith.constant 0 : i32
      %dma_wait3A_35 = arith.constant 0 : i32
      %dma_wait3A_36 = tpu.memref_slice %arg2[%add3A, %dma_wait3A, %dma_wait3A_35] : memref<32x80x128xi32, #tpu.memory_space<hbm>> -> memref<1x80x128xi32, #tpu.memory_space<hbm>>
      %dma_wait3A_37 = tpu.memref_squeeze %dma_wait3A_36 : memref<1x80x128xi32, #tpu.memory_space<hbm>> -> memref<80x128xi32, #tpu.memory_space<hbm>>
      %dma_wait3A_38 = arith.constant 0 : i32
      %dma_wait3A_39 = arith.constant 0 : i32
      %dma_wait3A_40 = tpu.memref_slice %arg2[%add3A, %dma_wait3A_38, %dma_wait3A_39] : memref<32x80x128xi32, #tpu.memory_space<hbm>> -> memref<1x80x128xi32, #tpu.memory_space<hbm>>
      %dma_wait3A_41 = tpu.memref_squeeze %dma_wait3A_40 : memref<1x80x128xi32, #tpu.memory_space<hbm>> -> memref<80x128xi32, #tpu.memory_space<hbm>>
      tpu.wait_dma2 semaphore(%run_scoped3A : memref<!tpu.dma_semaphore, #tpu.memory_space<semaphore_mem>>) src(%dma_wait3A_41 : memref<80x128xi32, #tpu.memory_space<hbm>>) dst(%arg4 : memref<80x128xi32, #tpu.memory_space<vmem>>)
      tpu.yield
    }) : () -> ()
    %scan3A = arith.constant 0 : i32
    %scan3A_3 = arith.constant 128 : i32
    %scan3A_4 = arith.addi %scan3A, %scan3A_3 : i32
    %scan3A_5 = arith.constant 1 : i32
    scf.for %scan3A_28 = %scan3A to %scan3A_4 step %scan3A_5  : i32 {
      %mul3A_29 = arith.constant 1 : i32
      %mul3A_30 = arith.muli %scan3A_28, %mul3A_29 : i32
      %add3A_31 = arith.constant 0 : i32
      %add3A_32 = arith.addi %add3A_31, %mul3A_30 : i32
      %scan3A_33 = arith.constant 0 : i32
      %scan3A_34 = arith.constant 8 : i32
      %scan3A_35 = arith.addi %scan3A_33, %scan3A_34 : i32
      %scan3A_36 = arith.constant 1 : i32
      scf.for %scan3A_38 = %scan3A_33 to %scan3A_35 step %scan3A_36  : i32 {
        %mul3A_39 = arith.constant 16 : i32
        %mul3A_40 = arith.muli %scan3A_38, %mul3A_39 : i32
        %add3A_41 = arith.constant 0 : i32
        %add3A_42 = arith.addi %add3A_41, %mul3A_40 : i32
        %broadcast_in_dim3A = arith.constant 0.000000e+00 : f32
        %broadcast_in_dim3A_43 = vector.broadcast %broadcast_in_dim3A : f32 to vector<16xf32>
        %swap3A = arith.index_cast %add3A_32 : i32 to index
        %swap3A_44 = arith.index_cast %add3A_42 : i32 to index
        %swap3A_45 = tpu.vector_load %arg5[%swap3A, %swap3A_44] {strides = array<i32>} : memref<128x128xf32, #tpu.memory_space<vmem>>, vector<1x16xf32>,
        %swap3A_46 = vector.shape_cast %swap3A_45 : vector<1x16xf32> to vector<16xf32>
        %swap3A_47 = vector.shape_cast %broadcast_in_dim3A_43 : vector<16xf32> to vector<1x16xf32>
        tpu.vector_store %arg5[%swap3A, %swap3A_44], %swap3A_47 {strides = array<i32>} : memref<128x128xf32, #tpu.memory_space<vmem>>, vector<1x16xf32>,
      }
      %scan3A_37 = arith.constant 8 : i32
    }
    %scan3A_6 = arith.constant 128 : i32
    %scan3A_7 = arith.constant 0 : i32
    %scan3A_8 = arith.constant 5 : i32
    %scan3A_9 = arith.addi %scan3A_7, %scan3A_8 : i32
    %scan3A_10 = arith.constant 1 : i32
    scf.for %scan3A_28 = %scan3A_7 to %scan3A_9 step %scan3A_10  : i32 {
      %mul3A_29 = arith.constant 128 : i32
      %mul3A_30 = arith.muli %scan3A_28, %mul3A_29 : i32
      %add3A_31 = arith.constant 0 : i32
      %add3A_32 = arith.addi %add3A_31, %mul3A_30 : i32
      %add3A_33 = arith.addi %mul3A_2, %add3A_32 : i32
      "tpu.region"() ({
        %run_scoped3A = tpu.sem_alloc : memref<!tpu.dma_semaphore, #tpu.memory_space<semaphore_mem>>
        %dma_start3A = arith.constant 0 : i32
        %dma_start3A_34 = arith.constant 0 : i32
        %dma_start3A_35 = tpu.memref_slice %arg5[%dma_start3A, %dma_start3A_34] : memref<128x128xf32, #tpu.memory_space<vmem>> -> memref<128x128xf32, #tpu.memory_space<vmem>>
        %dma_start3A_36 = arith.constant 0 : i32
        %dma_start3A_37 = tpu.memref_slice %arg6[%add3A_33, %dma_start3A_36] : memref<10240x128xf32, #tpu.memory_space<vmem_shared>> -> memref<128x128xf32, #tpu.memory_space<vmem_shared>>
        %dma_start3A_38 = arith.constant 0 : i32
        %dma_start3A_39 = tpu.memref_slice %arg6[%add3A_33, %dma_start3A_38] : memref<10240x128xf32, #tpu.memory_space<vmem_shared>> -> memref<128x128xf32, #tpu.memory_space<vmem_shared>>
        %dma_start3A_40 = arith.constant 0 : i32
        %dma_start3A_41 = arith.constant 0 : i32
        %dma_start3A_42 = tpu.memref_slice %arg5[%dma_start3A_40, %dma_start3A_41] : memref<128x128xf32, #tpu.memory_space<vmem>> -> memref<128x128xf32, #tpu.memory_space<vmem>>
        tpu.enqueue_dma source(%dma_start3A_42 : memref<128x128xf32, #tpu.memory_space<vmem>>) target(%dma_start3A_39 : memref<128x128xf32, #tpu.memory_space<vmem_shared>>) target_semaphore(%run_scoped3A : memref<!tpu.dma_semaphore, #tpu.memory_space<semaphore_mem>>)
        %dma_wait3A = arith.constant 0 : i32
        %dma_wait3A_43 = arith.constant 0 : i32
        %dma_wait3A_44 = tpu.memref_slice %arg5[%dma_wait3A, %dma_wait3A_43] : memref<128x128xf32, #tpu.memory_space<vmem>> -> memref<128x128xf32, #tpu.memory_space<vmem>>
        %dma_wait3A_45 = arith.constant 0 : i32
        %dma_wait3A_46 = tpu.memref_slice %arg6[%add3A_33, %dma_wait3A_45] : memref<10240x128xf32, #tpu.memory_space<vmem_shared>> -> memref<128x128xf32, #tpu.memory_space<vmem_shared>>
        %dma_wait3A_47 = arith.constant 0 : i32
        %dma_wait3A_48 = tpu.memref_slice %arg6[%add3A_33, %dma_wait3A_47] : memref<10240x128xf32, #tpu.memory_space<vmem_shared>> -> memref<128x128xf32, #tpu.memory_space<vmem_shared>>
        %dma_wait3A_49 = arith.constant 0 : i32
        %dma_wait3A_50 = arith.constant 0 : i32
        %dma_wait3A_51 = tpu.memref_slice %arg5[%dma_wait3A_49, %dma_wait3A_50] : memref<128x128xf32, #tpu.memory_space<vmem>> -> memref<128x128xf32, #tpu.memory_space<vmem>>
        tpu.wait_dma2 semaphore(%run_scoped3A : memref<!tpu.dma_semaphore, #tpu.memory_space<semaphore_mem>>) src(%dma_wait3A_51 : memref<128x128xf32, #tpu.memory_space<vmem>>) dst(%dma_wait3A_48 : memref<128x128xf32, #tpu.memory_space<vmem_shared>>)
        tpu.yield
      }) : () -> ()
    }
    %scan3A_11 = arith.constant 5 : i32
    %scan3A_12 = arith.constant 0 : i32
    %scan3A_13 = arith.constant 128 : i32
    %scan3A_14 = arith.addi %scan3A_12, %scan3A_13 : i32
    %scan3A_15 = arith.constant 1 : i32
    scf.for %scan3A_28 = %scan3A_12 to %scan3A_14 step %scan3A_15  : i32 {
      %mul3A_29 = arith.constant 1 : i32
      %mul3A_30 = arith.muli %scan3A_28, %mul3A_29 : i32
      %add3A_31 = arith.constant 0 : i32
      %add3A_32 = arith.addi %add3A_31, %mul3A_30 : i32
      %scan3A_33 = arith.constant 0 : i32
      %scan3A_34 = arith.constant 8 : i32
      %scan3A_35 = arith.addi %scan3A_33, %scan3A_34 : i32
      %scan3A_36 = arith.constant 1 : i32
      scf.for %scan3A_38 = %scan3A_33 to %scan3A_35 step %scan3A_36  : i32 {
        %mul3A_39 = arith.constant 16 : i32
        %mul3A_40 = arith.muli %scan3A_38, %mul3A_39 : i32
        %add3A_41 = arith.constant 0 : i32
        %add3A_42 = arith.addi %add3A_41, %mul3A_40 : i32
        %broadcast_in_dim3A = arith.constant 1.000000e+00 : f32
        %broadcast_in_dim3A_43 = vector.broadcast %broadcast_in_dim3A : f32 to vector<16xf32>
        %swap3A = arith.index_cast %add3A_32 : i32 to index
        %swap3A_44 = arith.index_cast %add3A_42 : i32 to index
        %swap3A_45 = tpu.vector_load %arg5[%swap3A, %swap3A_44] {strides = array<i32>} : memref<128x128xf32, #tpu.memory_space<vmem>>, vector<1x16xf32>,
        %swap3A_46 = vector.shape_cast %swap3A_45 : vector<1x16xf32> to vector<16xf32>
        %swap3A_47 = vector.shape_cast %broadcast_in_dim3A_43 : vector<16xf32> to vector<1x16xf32>
        tpu.vector_store %arg5[%swap3A, %swap3A_44], %swap3A_47 {strides = array<i32>} : memref<128x128xf32, #tpu.memory_space<vmem>>, vector<1x16xf32>,
      }
      %scan3A_37 = arith.constant 8 : i32
    }
    %scan3A_16 = arith.constant 128 : i32
    %barrier3A = arith.constant 0 : index
    tpu.barrier barrier_id(%barrier3A)
    %scan3A_17 = arith.constant 0 : i32
    %scan3A_18 = arith.constant 80 : i32
    %scan3A_19 = arith.addi %scan3A_17, %scan3A_18 : i32
    %scan3A_20 = arith.constant 1 : i32
    scf.for %scan3A_28 = %scan3A_17 to %scan3A_19 step %scan3A_20  : i32 {
      %mul3A_29 = arith.constant 1 : i32
      %mul3A_30 = arith.muli %scan3A_28, %mul3A_29 : i32
      %add3A_31 = arith.constant 0 : i32
      %add3A_32 = arith.addi %add3A_31, %mul3A_30 : i32
      "tpu.region"() ({
        %run_scoped3A = tpu.sem_alloc : memref<!tpu.dma_semaphore, #tpu.memory_space<semaphore_mem>>
        %dma_start3A = arith.constant 0 : i32
        %dma_start3A_33 = tpu.memref_slice %arg4[%add3A_32, %dma_start3A] : memref<80x128xi32, #tpu.memory_space<vmem>> -> memref<1x128xi32, #tpu.memory_space<vmem>>
        %dma_start3A_34 = tpu.memref_squeeze %dma_start3A_33 : memref<1x128xi32, #tpu.memory_space<vmem>> -> memref<128xi32, #tpu.memory_space<vmem>>
        %dma_start3A_35 = arith.constant 0 : i32
        %dma_start3A_36 = arith.constant 0 : i32
        %dma_start3A_37 = tpu.memref_slice %arg6[%dma_start3A_35, %dma_start3A_36] : memref<10240x128xf32, #tpu.memory_space<vmem_shared>> -> memref<10240x128xf32, #tpu.memory_space<vmem_shared>>
        tpu.enqueue_indirect_dma source(%arg5 : memref<128x128xf32, #tpu.memory_space<vmem>>) target(%dma_start3A_37 : memref<10240x128xf32, #tpu.memory_space<vmem_shared>>) offsets(%dma_start3A_34 : memref<128xi32, #tpu.memory_space<vmem>>) semaphore(%run_scoped3A : memref<!tpu.dma_semaphore, #tpu.memory_space<semaphore_mem>>) {add = true}
        %dma_wait3A = arith.constant 0 : i32
        %dma_wait3A_38 = tpu.memref_slice %arg4[%add3A_32, %dma_wait3A] : memref<80x128xi32, #tpu.memory_space<vmem>> -> memref<1x128xi32, #tpu.memory_space<vmem>>
        %dma_wait3A_39 = tpu.memref_squeeze %dma_wait3A_38 : memref<1x128xi32, #tpu.memory_space<vmem>> -> memref<128xi32, #tpu.memory_space<vmem>>
        %dma_wait3A_40 = arith.constant 0 : i32
        %dma_wait3A_41 = arith.constant 0 : i32
        %dma_wait3A_42 = tpu.memref_slice %arg6[%dma_wait3A_40, %dma_wait3A_41] : memref<10240x128xf32, #tpu.memory_space<vmem_shared>> -> memref<10240x128xf32, #tpu.memory_space<vmem_shared>>
        tpu.wait_indirect_dma semaphore(%run_scoped3A : memref<!tpu.dma_semaphore, #tpu.memory_space<semaphore_mem>>) src(%arg5 : memref<128x128xf32, #tpu.memory_space<vmem>>) dst(%dma_wait3A_42 : memref<10240x128xf32, #tpu.memory_space<vmem_shared>>)
        tpu.yield
      }) : () -> ()
    }
    %scan3A_21 = arith.constant 80 : i32
    %barrier3A_22 = arith.constant 0 : index
    tpu.barrier barrier_id(%barrier3A_22)
    %scan3A_23 = arith.constant 0 : i32
    %scan3A_24 = arith.constant 5 : i32
    %scan3A_25 = arith.addi %scan3A_23, %scan3A_24 : i32
    %scan3A_26 = arith.constant 1 : i32
    scf.for %scan3A_28 = %scan3A_23 to %scan3A_25 step %scan3A_26  : i32 {
      %mul3A_29 = arith.constant 128 : i32
      %mul3A_30 = arith.muli %scan3A_28, %mul3A_29 : i32
      %add3A_31 = arith.constant 0 : i32
      %add3A_32 = arith.addi %add3A_31, %mul3A_30 : i32
      %add3A_33 = arith.addi %mul3A_2, %add3A_32 : i32
      %add3A_34 = arith.addi %mul3A_2, %add3A_32 : i32
      "tpu.region"() ({
        %run_scoped3A = tpu.sem_alloc : memref<!tpu.dma_semaphore, #tpu.memory_space<semaphore_mem>>
        %dma_start3A = arith.constant 0 : i32
        %dma_start3A_35 = tpu.memref_slice %arg3[%arg0, %add3A_34, %dma_start3A] : memref<2x10240x128xf32, #tpu.memory_space<hbm>> -> memref<1x128x128xf32, #tpu.memory_space<hbm>>
        %dma_start3A_36 = tpu.memref_squeeze %dma_start3A_35 : memref<1x128x128xf32, #tpu.memory_space<hbm>> -> memref<128x128xf32, #tpu.memory_space<hbm>>
        %dma_start3A_37 = arith.constant 0 : i32
        %dma_start3A_38 = tpu.memref_slice %arg6[%add3A_33, %dma_start3A_37] : memref<10240x128xf32, #tpu.memory_space<vmem_shared>> -> memref<128x128xf32, #tpu.memory_space<vmem_shared>>
        tpu.enqueue_dma source(%dma_start3A_38 : memref<128x128xf32, #tpu.memory_space<vmem_shared>>) target(%dma_start3A_36 : memref<128x128xf32, #tpu.memory_space<hbm>>) target_semaphore(%run_scoped3A : memref<!tpu.dma_semaphore, #tpu.memory_space<semaphore_mem>>)
        %dma_wait3A = arith.constant 0 : i32
        %dma_wait3A_39 = tpu.memref_slice %arg3[%arg0, %add3A_34, %dma_wait3A] : memref<2x10240x128xf32, #tpu.memory_space<hbm>> -> memref<1x128x128xf32, #tpu.memory_space<hbm>>
        %dma_wait3A_40 = tpu.memref_squeeze %dma_wait3A_39 : memref<1x128x128xf32, #tpu.memory_space<hbm>> -> memref<128x128xf32, #tpu.memory_space<hbm>>
        %dma_wait3A_41 = arith.constant 0 : i32
        %dma_wait3A_42 = tpu.memref_slice %arg6[%add3A_33, %dma_wait3A_41] : memref<10240x128xf32, #tpu.memory_space<vmem_shared>> -> memref<128x128xf32, #tpu.memory_space<vmem_shared>>
        tpu.wait_dma2 semaphore(%run_scoped3A : memref<!tpu.dma_semaphore, #tpu.memory_space<semaphore_mem>>) src(%dma_wait3A_42 : memref<128x128xf32, #tpu.memory_space<vmem_shared>>) dst(%dma_wait3A_40 : memref<128x128xf32, #tpu.memory_space<hbm>>)
        tpu.yield
      }) : () -> ()
    }
    %scan3A_27 = arith.constant 5 : i32
    return
  }
}

#map = affine_map<(d0, d1) -> (0, 0, 0)>
#map1 = affine_map<(d0, d1) -> (0, 0)>
module attributes {stable_mosaic.version = 14 : i64} {
  func.func @_seg_sum_body(%arg0: i32, %arg1: i32, %arg2: memref<32x80x128xi32, #tpu.memory_space<hbm>>, %arg3: memref<32x80x128xi32, #tpu.memory_space<hbm>>, %arg4: memref<10000x128xf32, #tpu.memory_space<hbm>>, %arg5: memref<2x10240x128xf32, #tpu.memory_space<hbm>>, %arg6: memref<40x128xi32, #tpu.memory_space<vmem>>, %arg7: memref<40x128xi32, #tpu.memory_space<vmem>>, %arg8: memref<128x128xf32, #tpu.memory_space<vmem>>, %arg9: memref<128x128xf32, #tpu.memory_space<vmem>>, %arg10: memref<10240x128xf32, #tpu.memory_space<vmem_shared>>, %arg11: memref<!tpu.dma_semaphore, #tpu.memory_space<semaphore_mem>>, %arg12: memref<!tpu.dma_semaphore, #tpu.memory_space<semaphore_mem>>) attributes {dimension_semantics = [#tpu.dimension_semantics<core_parallel>, #tpu.dimension_semantics<subcore_parallel>], iteration_bounds = array<i64: 2, 16>, scalar_prefetch = 0 : i64, scratch_operands = 7 : i64, tpu.core_type = #tpu.core_type<sc_vector_subcore>, window_params = [{transform_indices = #map}, {transform_indices = #map}, {transform_indices = #map1}, {transform_indices = #map}]} {
    %mul3A = arith.constant 2 : i32
    %mul3A_0 = arith.muli %arg1, %mul3A : i32
    %add3A = arith.addi %mul3A_0, %arg0 : i32
    %mul3A_1 = arith.constant 640 : i32
    %mul3A_2 = arith.muli %arg1, %mul3A_1 : i32
    %scan3A = arith.constant 0 : i32
    %scan3A_3 = arith.constant 128 : i32
    %scan3A_4 = arith.addi %scan3A, %scan3A_3 : i32
    %scan3A_5 = arith.constant 1 : i32
    scf.for %scan3A_78 = %scan3A to %scan3A_4 step %scan3A_5  : i32 {
      %mul3A_79 = arith.constant 1 : i32
      %mul3A_80 = arith.muli %scan3A_78, %mul3A_79 : i32
      %add3A_81 = arith.constant 0 : i32
      %add3A_82 = arith.addi %add3A_81, %mul3A_80 : i32
      %scan3A_83 = arith.constant 0 : i32
      %scan3A_84 = arith.constant 8 : i32
      %scan3A_85 = arith.addi %scan3A_83, %scan3A_84 : i32
      %scan3A_86 = arith.constant 1 : i32
      scf.for %scan3A_88 = %scan3A_83 to %scan3A_85 step %scan3A_86  : i32 {
        %mul3A_89 = arith.constant 16 : i32
        %mul3A_90 = arith.muli %scan3A_88, %mul3A_89 : i32
        %add3A_91 = arith.constant 0 : i32
        %add3A_92 = arith.addi %add3A_91, %mul3A_90 : i32
        %broadcast_in_dim3A = arith.constant 0.000000e+00 : f32
        %broadcast_in_dim3A_93 = vector.broadcast %broadcast_in_dim3A : f32 to vector<16xf32>
        %swap3A = arith.index_cast %add3A_82 : i32 to index
        %swap3A_94 = arith.index_cast %add3A_92 : i32 to index
        %swap3A_95 = tpu.vector_load %arg8[%swap3A, %swap3A_94] {strides = array<i32>} : memref<128x128xf32, #tpu.memory_space<vmem>>, vector<1x16xf32>,
        %swap3A_96 = vector.shape_cast %swap3A_95 : vector<1x16xf32> to vector<16xf32>
        %swap3A_97 = vector.shape_cast %broadcast_in_dim3A_93 : vector<16xf32> to vector<1x16xf32>
        tpu.vector_store %arg8[%swap3A, %swap3A_94], %swap3A_97 {strides = array<i32>} : memref<128x128xf32, #tpu.memory_space<vmem>>, vector<1x16xf32>,
      }
      %scan3A_87 = arith.constant 8 : i32
    }
    %scan3A_6 = arith.constant 128 : i32
    %scan3A_7 = arith.constant 0 : i32
    %scan3A_8 = arith.constant 5 : i32
    %scan3A_9 = arith.addi %scan3A_7, %scan3A_8 : i32
    %scan3A_10 = arith.constant 1 : i32
    scf.for %scan3A_78 = %scan3A_7 to %scan3A_9 step %scan3A_10  : i32 {
      %mul3A_79 = arith.constant 128 : i32
      %mul3A_80 = arith.muli %scan3A_78, %mul3A_79 : i32
      %add3A_81 = arith.constant 0 : i32
      %add3A_82 = arith.addi %add3A_81, %mul3A_80 : i32
      %add3A_83 = arith.addi %mul3A_2, %add3A_82 : i32
      "tpu.region"() ({
        %run_scoped3A = tpu.sem_alloc : memref<!tpu.dma_semaphore, #tpu.memory_space<semaphore_mem>>
        %dma_start3A_84 = arith.constant 0 : i32
        %dma_start3A_85 = arith.constant 0 : i32
        %dma_start3A_86 = tpu.memref_slice %arg8[%dma_start3A_84, %dma_start3A_85] : memref<128x128xf32, #tpu.memory_space<vmem>> -> memref<128x128xf32, #tpu.memory_space<vmem>>
        %dma_start3A_87 = arith.constant 0 : i32
        %dma_start3A_88 = tpu.memref_slice %arg10[%add3A_83, %dma_start3A_87] : memref<10240x128xf32, #tpu.memory_space<vmem_shared>> -> memref<128x128xf32, #tpu.memory_space<vmem_shared>>
        %dma_start3A_89 = arith.constant 0 : i32
        %dma_start3A_90 = tpu.memref_slice %arg10[%add3A_83, %dma_start3A_89] : memref<10240x128xf32, #tpu.memory_space<vmem_shared>> -> memref<128x128xf32, #tpu.memory_space<vmem_shared>>
        %dma_start3A_91 = arith.constant 0 : i32
        %dma_start3A_92 = arith.constant 0 : i32
        %dma_start3A_93 = tpu.memref_slice %arg8[%dma_start3A_91, %dma_start3A_92] : memref<128x128xf32, #tpu.memory_space<vmem>> -> memref<128x128xf32, #tpu.memory_space<vmem>>
        tpu.enqueue_dma source(%dma_start3A_93 : memref<128x128xf32, #tpu.memory_space<vmem>>) target(%dma_start3A_90 : memref<128x128xf32, #tpu.memory_space<vmem_shared>>) target_semaphore(%run_scoped3A : memref<!tpu.dma_semaphore, #tpu.memory_space<semaphore_mem>>)
        %dma_wait3A_94 = arith.constant 0 : i32
        %dma_wait3A_95 = arith.constant 0 : i32
        %dma_wait3A_96 = tpu.memref_slice %arg8[%dma_wait3A_94, %dma_wait3A_95] : memref<128x128xf32, #tpu.memory_space<vmem>> -> memref<128x128xf32, #tpu.memory_space<vmem>>
        %dma_wait3A_97 = arith.constant 0 : i32
        %dma_wait3A_98 = tpu.memref_slice %arg10[%add3A_83, %dma_wait3A_97] : memref<10240x128xf32, #tpu.memory_space<vmem_shared>> -> memref<128x128xf32, #tpu.memory_space<vmem_shared>>
        %dma_wait3A_99 = arith.constant 0 : i32
        %dma_wait3A_100 = tpu.memref_slice %arg10[%add3A_83, %dma_wait3A_99] : memref<10240x128xf32, #tpu.memory_space<vmem_shared>> -> memref<128x128xf32, #tpu.memory_space<vmem_shared>>
        %dma_wait3A_101 = arith.constant 0 : i32
        %dma_wait3A_102 = arith.constant 0 : i32
        %dma_wait3A_103 = tpu.memref_slice %arg8[%dma_wait3A_101, %dma_wait3A_102] : memref<128x128xf32, #tpu.memory_space<vmem>> -> memref<128x128xf32, #tpu.memory_space<vmem>>
        tpu.wait_dma2 semaphore(%run_scoped3A : memref<!tpu.dma_semaphore, #tpu.memory_space<semaphore_mem>>) src(%dma_wait3A_103 : memref<128x128xf32, #tpu.memory_space<vmem>>) dst(%dma_wait3A_100 : memref<128x128xf32, #tpu.memory_space<vmem_shared>>)
        tpu.yield
      }) : () -> ()
    }
    %scan3A_11 = arith.constant 5 : i32
    %barrier3A = arith.constant 0 : index
    tpu.barrier barrier_id(%barrier3A)
    "tpu.region"() ({
      %run_scoped3A = tpu.sem_alloc : memref<!tpu.dma_semaphore, #tpu.memory_space<semaphore_mem>>
      %dma_start3A_78 = arith.constant 0 : i32
      %dma_start3A_79 = arith.constant 0 : i32
      %dma_start3A_80 = tpu.memref_slice %arg2[%add3A, %dma_start3A_78, %dma_start3A_79] : memref<32x80x128xi32, #tpu.memory_space<hbm>> -> memref<1x40x128xi32, #tpu.memory_space<hbm>>
      %dma_start3A_81 = tpu.memref_squeeze %dma_start3A_80 : memref<1x40x128xi32, #tpu.memory_space<hbm>> -> memref<40x128xi32, #tpu.memory_space<hbm>>
      %dma_start3A_82 = arith.constant 0 : i32
      %dma_start3A_83 = arith.constant 0 : i32
      %dma_start3A_84 = tpu.memref_slice %arg2[%add3A, %dma_start3A_82, %dma_start3A_83] : memref<32x80x128xi32, #tpu.memory_space<hbm>> -> memref<1x40x128xi32, #tpu.memory_space<hbm>>
      %dma_start3A_85 = tpu.memref_squeeze %dma_start3A_84 : memref<1x40x128xi32, #tpu.memory_space<hbm>> -> memref<40x128xi32, #tpu.memory_space<hbm>>
      tpu.enqueue_dma source(%dma_start3A_85 : memref<40x128xi32, #tpu.memory_space<hbm>>) target(%arg6 : memref<40x128xi32, #tpu.memory_space<vmem>>) target_semaphore(%run_scoped3A : memref<!tpu.dma_semaphore, #tpu.memory_space<semaphore_mem>>)
      %dma_wait3A_86 = arith.constant 0 : i32
      %dma_wait3A_87 = arith.constant 0 : i32
      %dma_wait3A_88 = tpu.memref_slice %arg2[%add3A, %dma_wait3A_86, %dma_wait3A_87] : memref<32x80x128xi32, #tpu.memory_space<hbm>> -> memref<1x40x128xi32, #tpu.memory_space<hbm>>
      %dma_wait3A_89 = tpu.memref_squeeze %dma_wait3A_88 : memref<1x40x128xi32, #tpu.memory_space<hbm>> -> memref<40x128xi32, #tpu.memory_space<hbm>>
      %dma_wait3A_90 = arith.constant 0 : i32
      %dma_wait3A_91 = arith.constant 0 : i32
      %dma_wait3A_92 = tpu.memref_slice %arg2[%add3A, %dma_wait3A_90, %dma_wait3A_91] : memref<32x80x128xi32, #tpu.memory_space<hbm>> -> memref<1x40x128xi32, #tpu.memory_space<hbm>>
      %dma_wait3A_93 = tpu.memref_squeeze %dma_wait3A_92 : memref<1x40x128xi32, #tpu.memory_space<hbm>> -> memref<40x128xi32, #tpu.memory_space<hbm>>
      tpu.wait_dma2 semaphore(%run_scoped3A : memref<!tpu.dma_semaphore, #tpu.memory_space<semaphore_mem>>) src(%dma_wait3A_93 : memref<40x128xi32, #tpu.memory_space<hbm>>) dst(%arg6 : memref<40x128xi32, #tpu.memory_space<vmem>>)
      tpu.yield
    }) : () -> ()
    "tpu.region"() ({
      %run_scoped3A = tpu.sem_alloc : memref<!tpu.dma_semaphore, #tpu.memory_space<semaphore_mem>>
      %dma_start3A_78 = arith.constant 0 : i32
      %dma_start3A_79 = arith.constant 0 : i32
      %dma_start3A_80 = tpu.memref_slice %arg3[%add3A, %dma_start3A_78, %dma_start3A_79] : memref<32x80x128xi32, #tpu.memory_space<hbm>> -> memref<1x40x128xi32, #tpu.memory_space<hbm>>
      %dma_start3A_81 = tpu.memref_squeeze %dma_start3A_80 : memref<1x40x128xi32, #tpu.memory_space<hbm>> -> memref<40x128xi32, #tpu.memory_space<hbm>>
      %dma_start3A_82 = arith.constant 0 : i32
      %dma_start3A_83 = arith.constant 0 : i32
      %dma_start3A_84 = tpu.memref_slice %arg3[%add3A, %dma_start3A_82, %dma_start3A_83] : memref<32x80x128xi32, #tpu.memory_space<hbm>> -> memref<1x40x128xi32, #tpu.memory_space<hbm>>
      %dma_start3A_85 = tpu.memref_squeeze %dma_start3A_84 : memref<1x40x128xi32, #tpu.memory_space<hbm>> -> memref<40x128xi32, #tpu.memory_space<hbm>>
      tpu.enqueue_dma source(%dma_start3A_85 : memref<40x128xi32, #tpu.memory_space<hbm>>) target(%arg7 : memref<40x128xi32, #tpu.memory_space<vmem>>) target_semaphore(%run_scoped3A : memref<!tpu.dma_semaphore, #tpu.memory_space<semaphore_mem>>)
      %dma_wait3A_86 = arith.constant 0 : i32
      %dma_wait3A_87 = arith.constant 0 : i32
      %dma_wait3A_88 = tpu.memref_slice %arg3[%add3A, %dma_wait3A_86, %dma_wait3A_87] : memref<32x80x128xi32, #tpu.memory_space<hbm>> -> memref<1x40x128xi32, #tpu.memory_space<hbm>>
      %dma_wait3A_89 = tpu.memref_squeeze %dma_wait3A_88 : memref<1x40x128xi32, #tpu.memory_space<hbm>> -> memref<40x128xi32, #tpu.memory_space<hbm>>
      %dma_wait3A_90 = arith.constant 0 : i32
      %dma_wait3A_91 = arith.constant 0 : i32
      %dma_wait3A_92 = tpu.memref_slice %arg3[%add3A, %dma_wait3A_90, %dma_wait3A_91] : memref<32x80x128xi32, #tpu.memory_space<hbm>> -> memref<1x40x128xi32, #tpu.memory_space<hbm>>
      %dma_wait3A_93 = tpu.memref_squeeze %dma_wait3A_92 : memref<1x40x128xi32, #tpu.memory_space<hbm>> -> memref<40x128xi32, #tpu.memory_space<hbm>>
      tpu.wait_dma2 semaphore(%run_scoped3A : memref<!tpu.dma_semaphore, #tpu.memory_space<semaphore_mem>>) src(%dma_wait3A_93 : memref<40x128xi32, #tpu.memory_space<hbm>>) dst(%arg7 : memref<40x128xi32, #tpu.memory_space<vmem>>)
      tpu.yield
    }) : () -> ()
    %dma_start3A = arith.constant 0 : i32
    %dma_start3A_12 = arith.constant 0 : i32
    %dma_start3A_13 = tpu.memref_slice %arg6[%dma_start3A, %dma_start3A_12] : memref<40x128xi32, #tpu.memory_space<vmem>> -> memref<1x128xi32, #tpu.memory_space<vmem>>
    %dma_start3A_14 = tpu.memref_squeeze %dma_start3A_13 : memref<1x128xi32, #tpu.memory_space<vmem>> -> memref<128xi32, #tpu.memory_space<vmem>>
    %dma_start3A_15 = arith.constant 0 : i32
    %dma_start3A_16 = arith.constant 0 : i32
    %dma_start3A_17 = tpu.memref_slice %arg4[%dma_start3A_15, %dma_start3A_16] : memref<10000x128xf32, #tpu.memory_space<hbm>> -> memref<10000x128xf32, #tpu.memory_space<hbm>>
    tpu.enqueue_indirect_dma source(%dma_start3A_17 : memref<10000x128xf32, #tpu.memory_space<hbm>>) target(%arg8 : memref<128x128xf32, #tpu.memory_space<vmem>>) offsets(%dma_start3A_14 : memref<128xi32, #tpu.memory_space<vmem>>) semaphore(%arg11 : memref<!tpu.dma_semaphore, #tpu.memory_space<semaphore_mem>>)
    %dma_start3A_18 = arith.constant 1 : i32
    %dma_start3A_19 = arith.constant 0 : i32
    %dma_start3A_20 = tpu.memref_slice %arg6[%dma_start3A_18, %dma_start3A_19] : memref<40x128xi32, #tpu.memory_space<vmem>> -> memref<1x128xi32, #tpu.memory_space<vmem>>
    %dma_start3A_21 = tpu.memref_squeeze %dma_start3A_20 : memref<1x128xi32, #tpu.memory_space<vmem>> -> memref<128xi32, #tpu.memory_space<vmem>>
    %dma_start3A_22 = arith.constant 0 : i32
    %dma_start3A_23 = arith.constant 0 : i32
    %dma_start3A_24 = tpu.memref_slice %arg4[%dma_start3A_22, %dma_start3A_23] : memref<10000x128xf32, #tpu.memory_space<hbm>> -> memref<10000x128xf32, #tpu.memory_space<hbm>>
    tpu.enqueue_indirect_dma source(%dma_start3A_24 : memref<10000x128xf32, #tpu.memory_space<hbm>>) target(%arg9 : memref<128x128xf32, #tpu.memory_space<vmem>>) offsets(%dma_start3A_21 : memref<128xi32, #tpu.memory_space<vmem>>) semaphore(%arg12 : memref<!tpu.dma_semaphore, #tpu.memory_space<semaphore_mem>>)
    %scan3A_25 = arith.constant 0 : i32
    %scan3A_26 = arith.constant 20 : i32
    %scan3A_27 = arith.addi %scan3A_25, %scan3A_26 : i32
    %scan3A_28 = arith.constant 1 : i32
    scf.for %scan3A_78 = %scan3A_25 to %scan3A_27 step %scan3A_28  : i32 {
      %mul3A_79 = arith.constant 2 : i32
      %mul3A_80 = arith.muli %scan3A_78, %mul3A_79 : i32
      %add3A_81 = arith.constant 0 : i32
      %add3A_82 = arith.addi %add3A_81, %mul3A_80 : i32
      %dma_wait3A_83 = arith.constant 0 : i32
      %dma_wait3A_84 = arith.constant 0 : i32
      %dma_wait3A_85 = tpu.memref_slice %arg4[%dma_wait3A_83, %dma_wait3A_84] : memref<10000x128xf32, #tpu.memory_space<hbm>> -> memref<128x128xf32, #tpu.memory_space<hbm>>
      %dma_wait3A_86 = arith.constant 0 : i32
      %dma_wait3A_87 = arith.constant 0 : i32
      %dma_wait3A_88 = tpu.memref_slice %arg4[%dma_wait3A_86, %dma_wait3A_87] : memref<10000x128xf32, #tpu.memory_space<hbm>> -> memref<128x128xf32, #tpu.memory_space<hbm>>
      tpu.wait_dma2 semaphore(%arg11 : memref<!tpu.dma_semaphore, #tpu.memory_space<semaphore_mem>>) src(%dma_wait3A_88 : memref<128x128xf32, #tpu.memory_space<hbm>>) dst(%arg8 : memref<128x128xf32, #tpu.memory_space<vmem>>)
      "tpu.region"() ({
        %run_scoped3A = tpu.sem_alloc : memref<!tpu.dma_semaphore, #tpu.memory_space<semaphore_mem>>
        %dma_start3A_122 = arith.constant 0 : i32
        %dma_start3A_123 = tpu.memref_slice %arg7[%add3A_82, %dma_start3A_122] : memref<40x128xi32, #tpu.memory_space<vmem>> -> memref<1x128xi32, #tpu.memory_space<vmem>>
        %dma_start3A_124 = tpu.memref_squeeze %dma_start3A_123 : memref<1x128xi32, #tpu.memory_space<vmem>> -> memref<128xi32, #tpu.memory_space<vmem>>
        %dma_start3A_125 = arith.constant 0 : i32
        %dma_start3A_126 = arith.constant 0 : i32
        %dma_start3A_127 = tpu.memref_slice %arg10[%dma_start3A_125, %dma_start3A_126] : memref<10240x128xf32, #tpu.memory_space<vmem_shared>> -> memref<10240x128xf32, #tpu.memory_space<vmem_shared>>
        tpu.enqueue_indirect_dma source(%arg8 : memref<128x128xf32, #tpu.memory_space<vmem>>) target(%dma_start3A_127 : memref<10240x128xf32, #tpu.memory_space<vmem_shared>>) offsets(%dma_start3A_124 : memref<128xi32, #tpu.memory_space<vmem>>) semaphore(%run_scoped3A : memref<!tpu.dma_semaphore, #tpu.memory_space<semaphore_mem>>) {add = true}
        %dma_wait3A_128 = arith.constant 0 : i32
        %dma_wait3A_129 = tpu.memref_slice %arg7[%add3A_82, %dma_wait3A_128] : memref<40x128xi32, #tpu.memory_space<vmem>> -> memref<1x128xi32, #tpu.memory_space<vmem>>
        %dma_wait3A_130 = tpu.memref_squeeze %dma_wait3A_129 : memref<1x128xi32, #tpu.memory_space<vmem>> -> memref<128xi32, #tpu.memory_space<vmem>>
        %dma_wait3A_131 = arith.constant 0 : i32
        %dma_wait3A_132 = arith.constant 0 : i32
        %dma_wait3A_133 = tpu.memref_slice %arg10[%dma_wait3A_131, %dma_wait3A_132] : memref<10240x128xf32, #tpu.memory_space<vmem_shared>> -> memref<10240x128xf32, #tpu.memory_space<vmem_shared>>
        tpu.wait_indirect_dma semaphore(%run_scoped3A : memref<!tpu.dma_semaphore, #tpu.memory_space<semaphore_mem>>) src(%arg8 : memref<128x128xf32, #tpu.memory_space<vmem>>) dst(%dma_wait3A_133 : memref<10240x128xf32, #tpu.memory_space<vmem_shared>>)
        tpu.yield
      }) : () -> ()
      %add3A_89 = arith.constant 2 : i32
      %add3A_90 = arith.addi %add3A_82, %add3A_89 : i32
      %lt3A = arith.constant 40 : i32
      %lt3A_91 = arith.cmpi slt, %add3A_90, %lt3A : i32
      %add3A_92 = arith.constant 2 : i32
      %add3A_93 = arith.addi %add3A_82, %add3A_92 : i32
      %jit3A = arith.constant 0 : i32
      %select_n3A = arith.select %lt3A_91, %add3A_93, %jit3A : i32
      %dma_start3A_94 = arith.constant 0 : i32
      %dma_start3A_95 = tpu.memref_slice %arg6[%select_n3A, %dma_start3A_94] : memref<40x128xi32, #tpu.memory_space<vmem>> -> memref<1x128xi32, #tpu.memory_space<vmem>>
      %dma_start3A_96 = tpu.memref_squeeze %dma_start3A_95 : memref<1x128xi32, #tpu.memory_space<vmem>> -> memref<128xi32, #tpu.memory_space<vmem>>
      %dma_start3A_97 = arith.constant 0 : i32
      %dma_start3A_98 = arith.constant 0 : i32
      %dma_start3A_99 = tpu.memref_slice %arg4[%dma_start3A_97, %dma_start3A_98] : memref<10000x128xf32, #tpu.memory_space<hbm>> -> memref<10000x128xf32, #tpu.memory_space<hbm>>
      tpu.enqueue_indirect_dma source(%dma_start3A_99 : memref<10000x128xf32, #tpu.memory_space<hbm>>) target(%arg8 : memref<128x128xf32, #tpu.memory_space<vmem>>) offsets(%dma_start3A_96 : memref<128xi32, #tpu.memory_space<vmem>>) semaphore(%arg11 : memref<!tpu.dma_semaphore, #tpu.memory_space<semaphore_mem>>)
      %dma_wait3A_100 = arith.constant 0 : i32
      %dma_wait3A_101 = arith.constant 0 : i32
      %dma_wait3A_102 = tpu.memref_slice %arg4[%dma_wait3A_100, %dma_wait3A_101] : memref<10000x128xf32, #tpu.memory_space<hbm>> -> memref<128x128xf32, #tpu.memory_space<hbm>>
      %dma_wait3A_103 = arith.constant 0 : i32
      %dma_wait3A_104 = arith.constant 0 : i32
      %dma_wait3A_105 = tpu.memref_slice %arg4[%dma_wait3A_103, %dma_wait3A_104] : memref<10000x128xf32, #tpu.memory_space<hbm>> -> memref<128x128xf32, #tpu.memory_space<hbm>>
      tpu.wait_dma2 semaphore(%arg12 : memref<!tpu.dma_semaphore, #tpu.memory_space<semaphore_mem>>) src(%dma_wait3A_105 : memref<128x128xf32, #tpu.memory_space<hbm>>) dst(%arg9 : memref<128x128xf32, #tpu.memory_space<vmem>>)
      %add3A_106 = arith.constant 1 : i32
      %add3A_107 = arith.addi %add3A_82, %add3A_106 : i32
      "tpu.region"() ({
        %run_scoped3A = tpu.sem_alloc : memref<!tpu.dma_semaphore, #tpu.memory_space<semaphore_mem>>
        %dma_start3A_122 = arith.constant 0 : i32
        %dma_start3A_123 = tpu.memref_slice %arg7[%add3A_107, %dma_start3A_122] : memref<40x128xi32, #tpu.memory_space<vmem>> -> memref<1x128xi32, #tpu.memory_space<vmem>>
        %dma_start3A_124 = tpu.memref_squeeze %dma_start3A_123 : memref<1x128xi32, #tpu.memory_space<vmem>> -> memref<128xi32, #tpu.memory_space<vmem>>
        %dma_start3A_125 = arith.constant 0 : i32
        %dma_start3A_126 = arith.constant 0 : i32
        %dma_start3A_127 = tpu.memref_slice %arg10[%dma_start3A_125, %dma_start3A_126] : memref<10240x128xf32, #tpu.memory_space<vmem_shared>> -> memref<10240x128xf32, #tpu.memory_space<vmem_shared>>
        tpu.enqueue_indirect_dma source(%arg9 : memref<128x128xf32, #tpu.memory_space<vmem>>) target(%dma_start3A_127 : memref<10240x128xf32, #tpu.memory_space<vmem_shared>>) offsets(%dma_start3A_124 : memref<128xi32, #tpu.memory_space<vmem>>) semaphore(%run_scoped3A : memref<!tpu.dma_semaphore, #tpu.memory_space<semaphore_mem>>) {add = true}
        %dma_wait3A_128 = arith.constant 0 : i32
        %dma_wait3A_129 = tpu.memref_slice %arg7[%add3A_107, %dma_wait3A_128] : memref<40x128xi32, #tpu.memory_space<vmem>> -> memref<1x128xi32, #tpu.memory_space<vmem>>
        %dma_wait3A_130 = tpu.memref_squeeze %dma_wait3A_129 : memref<1x128xi32, #tpu.memory_space<vmem>> -> memref<128xi32, #tpu.memory_space<vmem>>
        %dma_wait3A_131 = arith.constant 0 : i32
        %dma_wait3A_132 = arith.constant 0 : i32
        %dma_wait3A_133 = tpu.memref_slice %arg10[%dma_wait3A_131, %dma_wait3A_132] : memref<10240x128xf32, #tpu.memory_space<vmem_shared>> -> memref<10240x128xf32, #tpu.memory_space<vmem_shared>>
        tpu.wait_indirect_dma semaphore(%run_scoped3A : memref<!tpu.dma_semaphore, #tpu.memory_space<semaphore_mem>>) src(%arg9 : memref<128x128xf32, #tpu.memory_space<vmem>>) dst(%dma_wait3A_133 : memref<10240x128xf32, #tpu.memory_space<vmem_shared>>)
        tpu.yield
      }) : () -> ()
      %add3A_108 = arith.constant 3 : i32
      %add3A_109 = arith.addi %add3A_82, %add3A_108 : i32
      %lt3A_110 = arith.constant 40 : i32
      %lt3A_111 = arith.cmpi slt, %add3A_109, %lt3A_110 : i32
      %add3A_112 = arith.constant 3 : i32
      %add3A_113 = arith.addi %add3A_82, %add3A_112 : i32
      %jit3A_114 = arith.constant 0 : i32
      %select_n3A_115 = arith.select %lt3A_111, %add3A_113, %jit3A_114 : i32
      %dma_start3A_116 = arith.constant 0 : i32
      %dma_start3A_117 = tpu.memref_slice %arg6[%select_n3A_115, %dma_start3A_116] : memref<40x128xi32, #tpu.memory_space<vmem>> -> memref<1x128xi32, #tpu.memory_space<vmem>>
      %dma_start3A_118 = tpu.memref_squeeze %dma_start3A_117 : memref<1x128xi32, #tpu.memory_space<vmem>> -> memref<128xi32, #tpu.memory_space<vmem>>
      %dma_start3A_119 = arith.constant 0 : i32
      %dma_start3A_120 = arith.constant 0 : i32
      %dma_start3A_121 = tpu.memref_slice %arg4[%dma_start3A_119, %dma_start3A_120] : memref<10000x128xf32, #tpu.memory_space<hbm>> -> memref<10000x128xf32, #tpu.memory_space<hbm>>
      tpu.enqueue_indirect_dma source(%dma_start3A_121 : memref<10000x128xf32, #tpu.memory_space<hbm>>) target(%arg9 : memref<128x128xf32, #tpu.memory_space<vmem>>) offsets(%dma_start3A_118 : memref<128xi32, #tpu.memory_space<vmem>>) semaphore(%arg12 : memref<!tpu.dma_semaphore, #tpu.memory_space<semaphore_mem>>)
    }
    %scan3A_29 = arith.constant 20 : i32
    %dma_wait3A = arith.constant 0 : i32
    %dma_wait3A_30 = arith.constant 0 : i32
    %dma_wait3A_31 = tpu.memref_slice %arg4[%dma_wait3A, %dma_wait3A_30] : memref<10000x128xf32, #tpu.memory_space<hbm>> -> memref<128x128xf32, #tpu.memory_space<hbm>>
    %dma_wait3A_32 = arith.constant 0 : i32
    %dma_wait3A_33 = arith.constant 0 : i32
    %dma_wait3A_34 = tpu.memref_slice %arg4[%dma_wait3A_32, %dma_wait3A_33] : memref<10000x128xf32, #tpu.memory_space<hbm>> -> memref<128x128xf32, #tpu.memory_space<hbm>>
    tpu.wait_dma2 semaphore(%arg11 : memref<!tpu.dma_semaphore, #tpu.memory_space<semaphore_mem>>) src(%dma_wait3A_34 : memref<128x128xf32, #tpu.memory_space<hbm>>) dst(%arg8 : memref<128x128xf32, #tpu.memory_space<vmem>>)
    %dma_wait3A_35 = arith.constant 0 : i32
    %dma_wait3A_36 = arith.constant 0 : i32
    %dma_wait3A_37 = tpu.memref_slice %arg4[%dma_wait3A_35, %dma_wait3A_36] : memref<10000x128xf32, #tpu.memory_space<hbm>> -> memref<128x128xf32, #tpu.memory_space<hbm>>
    %dma_wait3A_38 = arith.constant 0 : i32
    %dma_wait3A_39 = arith.constant 0 : i32
    %dma_wait3A_40 = tpu.memref_slice %arg4[%dma_wait3A_38, %dma_wait3A_39] : memref<10000x128xf32, #tpu.memory_space<hbm>> -> memref<128x128xf32, #tpu.memory_space<hbm>>
    tpu.wait_dma2 semaphore(%arg12 : memref<!tpu.dma_semaphore, #tpu.memory_space<semaphore_mem>>) src(%dma_wait3A_40 : memref<128x128xf32, #tpu.memory_space<hbm>>) dst(%arg9 : memref<128x128xf32, #tpu.memory_space<vmem>>)
    "tpu.region"() ({
      %run_scoped3A = tpu.sem_alloc : memref<!tpu.dma_semaphore, #tpu.memory_space<semaphore_mem>>
      %dma_start3A_78 = arith.constant 40 : i32
      %dma_start3A_79 = arith.constant 0 : i32
      %dma_start3A_80 = tpu.memref_slice %arg2[%add3A, %dma_start3A_78, %dma_start3A_79] : memref<32x80x128xi32, #tpu.memory_space<hbm>> -> memref<1x40x128xi32, #tpu.memory_space<hbm>>
      %dma_start3A_81 = tpu.memref_squeeze %dma_start3A_80 : memref<1x40x128xi32, #tpu.memory_space<hbm>> -> memref<40x128xi32, #tpu.memory_space<hbm>>
      %dma_start3A_82 = arith.constant 40 : i32
      %dma_start3A_83 = arith.constant 0 : i32
      %dma_start3A_84 = tpu.memref_slice %arg2[%add3A, %dma_start3A_82, %dma_start3A_83] : memref<32x80x128xi32, #tpu.memory_space<hbm>> -> memref<1x40x128xi32, #tpu.memory_space<hbm>>
      %dma_start3A_85 = tpu.memref_squeeze %dma_start3A_84 : memref<1x40x128xi32, #tpu.memory_space<hbm>> -> memref<40x128xi32, #tpu.memory_space<hbm>>
      tpu.enqueue_dma source(%dma_start3A_85 : memref<40x128xi32, #tpu.memory_space<hbm>>) target(%arg6 : memref<40x128xi32, #tpu.memory_space<vmem>>) target_semaphore(%run_scoped3A : memref<!tpu.dma_semaphore, #tpu.memory_space<semaphore_mem>>)
      %dma_wait3A_86 = arith.constant 40 : i32
      %dma_wait3A_87 = arith.constant 0 : i32
      %dma_wait3A_88 = tpu.memref_slice %arg2[%add3A, %dma_wait3A_86, %dma_wait3A_87] : memref<32x80x128xi32, #tpu.memory_space<hbm>> -> memref<1x40x128xi32, #tpu.memory_space<hbm>>
      %dma_wait3A_89 = tpu.memref_squeeze %dma_wait3A_88 : memref<1x40x128xi32, #tpu.memory_space<hbm>> -> memref<40x128xi32, #tpu.memory_space<hbm>>
      %dma_wait3A_90 = arith.constant 40 : i32
      %dma_wait3A_91 = arith.constant 0 : i32
      %dma_wait3A_92 = tpu.memref_slice %arg2[%add3A, %dma_wait3A_90, %dma_wait3A_91] : memref<32x80x128xi32, #tpu.memory_space<hbm>> -> memref<1x40x128xi32, #tpu.memory_space<hbm>>
      %dma_wait3A_93 = tpu.memref_squeeze %dma_wait3A_92 : memref<1x40x128xi32, #tpu.memory_space<hbm>> -> memref<40x128xi32, #tpu.memory_space<hbm>>
      tpu.wait_dma2 semaphore(%run_scoped3A : memref<!tpu.dma_semaphore, #tpu.memory_space<semaphore_mem>>) src(%dma_wait3A_93 : memref<40x128xi32, #tpu.memory_space<hbm>>) dst(%arg6 : memref<40x128xi32, #tpu.memory_space<vmem>>)
      tpu.yield
    }) : () -> ()
    "tpu.region"() ({
      %run_scoped3A = tpu.sem_alloc : memref<!tpu.dma_semaphore, #tpu.memory_space<semaphore_mem>>
      %dma_start3A_78 = arith.constant 40 : i32
      %dma_start3A_79 = arith.constant 0 : i32
      %dma_start3A_80 = tpu.memref_slice %arg3[%add3A, %dma_start3A_78, %dma_start3A_79] : memref<32x80x128xi32, #tpu.memory_space<hbm>> -> memref<1x40x128xi32, #tpu.memory_space<hbm>>
      %dma_start3A_81 = tpu.memref_squeeze %dma_start3A_80 : memref<1x40x128xi32, #tpu.memory_space<hbm>> -> memref<40x128xi32, #tpu.memory_space<hbm>>
      %dma_start3A_82 = arith.constant 40 : i32
      %dma_start3A_83 = arith.constant 0 : i32
      %dma_start3A_84 = tpu.memref_slice %arg3[%add3A, %dma_start3A_82, %dma_start3A_83] : memref<32x80x128xi32, #tpu.memory_space<hbm>> -> memref<1x40x128xi32, #tpu.memory_space<hbm>>
      %dma_start3A_85 = tpu.memref_squeeze %dma_start3A_84 : memref<1x40x128xi32, #tpu.memory_space<hbm>> -> memref<40x128xi32, #tpu.memory_space<hbm>>
      tpu.enqueue_dma source(%dma_start3A_85 : memref<40x128xi32, #tpu.memory_space<hbm>>) target(%arg7 : memref<40x128xi32, #tpu.memory_space<vmem>>) target_semaphore(%run_scoped3A : memref<!tpu.dma_semaphore, #tpu.memory_space<semaphore_mem>>)
      %dma_wait3A_86 = arith.constant 40 : i32
      %dma_wait3A_87 = arith.constant 0 : i32
      %dma_wait3A_88 = tpu.memref_slice %arg3[%add3A, %dma_wait3A_86, %dma_wait3A_87] : memref<32x80x128xi32, #tpu.memory_space<hbm>> -> memref<1x40x128xi32, #tpu.memory_space<hbm>>
      %dma_wait3A_89 = tpu.memref_squeeze %dma_wait3A_88 : memref<1x40x128xi32, #tpu.memory_space<hbm>> -> memref<40x128xi32, #tpu.memory_space<hbm>>
      %dma_wait3A_90 = arith.constant 40 : i32
      %dma_wait3A_91 = arith.constant 0 : i32
      %dma_wait3A_92 = tpu.memref_slice %arg3[%add3A, %dma_wait3A_90, %dma_wait3A_91] : memref<32x80x128xi32, #tpu.memory_space<hbm>> -> memref<1x40x128xi32, #tpu.memory_space<hbm>>
      %dma_wait3A_93 = tpu.memref_squeeze %dma_wait3A_92 : memref<1x40x128xi32, #tpu.memory_space<hbm>> -> memref<40x128xi32, #tpu.memory_space<hbm>>
      tpu.wait_dma2 semaphore(%run_scoped3A : memref<!tpu.dma_semaphore, #tpu.memory_space<semaphore_mem>>) src(%dma_wait3A_93 : memref<40x128xi32, #tpu.memory_space<hbm>>) dst(%arg7 : memref<40x128xi32, #tpu.memory_space<vmem>>)
      tpu.yield
    }) : () -> ()
    %dma_start3A_41 = arith.constant 0 : i32
    %dma_start3A_42 = arith.constant 0 : i32
    %dma_start3A_43 = tpu.memref_slice %arg6[%dma_start3A_41, %dma_start3A_42] : memref<40x128xi32, #tpu.memory_space<vmem>> -> memref<1x128xi32, #tpu.memory_space<vmem>>
    %dma_start3A_44 = tpu.memref_squeeze %dma_start3A_43 : memref<1x128xi32, #tpu.memory_space<vmem>> -> memref<128xi32, #tpu.memory_space<vmem>>
    %dma_start3A_45 = arith.constant 0 : i32
    %dma_start3A_46 = arith.constant 0 : i32
    %dma_start3A_47 = tpu.memref_slice %arg4[%dma_start3A_45, %dma_start3A_46] : memref<10000x128xf32, #tpu.memory_space<hbm>> -> memref<10000x128xf32, #tpu.memory_space<hbm>>
    tpu.enqueue_indirect_dma source(%dma_start3A_47 : memref<10000x128xf32, #tpu.memory_space<hbm>>) target(%arg8 : memref<128x128xf32, #tpu.memory_space<vmem>>) offsets(%dma_start3A_44 : memref<128xi32, #tpu.memory_space<vmem>>) semaphore(%arg11 : memref<!tpu.dma_semaphore, #tpu.memory_space<semaphore_mem>>)
    %dma_start3A_48 = arith.constant 1 : i32
    %dma_start3A_49 = arith.constant 0 : i32
    %dma_start3A_50 = tpu.memref_slice %arg6[%dma_start3A_48, %dma_start3A_49] : memref<40x128xi32, #tpu.memory_space<vmem>> -> memref<1x128xi32, #tpu.memory_space<vmem>>
    %dma_start3A_51 = tpu.memref_squeeze %dma_start3A_50 : memref<1x128xi32, #tpu.memory_space<vmem>> -> memref<128xi32, #tpu.memory_space<vmem>>
    %dma_start3A_52 = arith.constant 0 : i32
    %dma_start3A_53 = arith.constant 0 : i32
    %dma_start3A_54 = tpu.memref_slice %arg4[%dma_start3A_52, %dma_start3A_53] : memref<10000x128xf32, #tpu.memory_space<hbm>> -> memref<10000x128xf32, #tpu.memory_space<hbm>>
    tpu.enqueue_indirect_dma source(%dma_start3A_54 : memref<10000x128xf32, #tpu.memory_space<hbm>>) target(%arg9 : memref<128x128xf32, #tpu.memory_space<vmem>>) offsets(%dma_start3A_51 : memref<128xi32, #tpu.memory_space<vmem>>) semaphore(%arg12 : memref<!tpu.dma_semaphore, #tpu.memory_space<semaphore_mem>>)
    %scan3A_55 = arith.constant 0 : i32
    %scan3A_56 = arith.constant 20 : i32
    %scan3A_57 = arith.addi %scan3A_55, %scan3A_56 : i32
    %scan3A_58 = arith.constant 1 : i32
    scf.for %scan3A_78 = %scan3A_55 to %scan3A_57 step %scan3A_58  : i32 {
      %mul3A_79 = arith.constant 2 : i32
      %mul3A_80 = arith.muli %scan3A_78, %mul3A_79 : i32
      %add3A_81 = arith.constant 0 : i32
      %add3A_82 = arith.addi %add3A_81, %mul3A_80 : i32
      %dma_wait3A_83 = arith.constant 0 : i32
      %dma_wait3A_84 = arith.constant 0 : i32
      %dma_wait3A_85 = tpu.memref_slice %arg4[%dma_wait3A_83, %dma_wait3A_84] : memref<10000x128xf32, #tpu.memory_space<hbm>> -> memref<128x128xf32, #tpu.memory_space<hbm>>
      %dma_wait3A_86 = arith.constant 0 : i32
      %dma_wait3A_87 = arith.constant 0 : i32
      %dma_wait3A_88 = tpu.memref_slice %arg4[%dma_wait3A_86, %dma_wait3A_87] : memref<10000x128xf32, #tpu.memory_space<hbm>> -> memref<128x128xf32, #tpu.memory_space<hbm>>
      tpu.wait_dma2 semaphore(%arg11 : memref<!tpu.dma_semaphore, #tpu.memory_space<semaphore_mem>>) src(%dma_wait3A_88 : memref<128x128xf32, #tpu.memory_space<hbm>>) dst(%arg8 : memref<128x128xf32, #tpu.memory_space<vmem>>)
      "tpu.region"() ({
        %run_scoped3A = tpu.sem_alloc : memref<!tpu.dma_semaphore, #tpu.memory_space<semaphore_mem>>
        %dma_start3A_122 = arith.constant 0 : i32
        %dma_start3A_123 = tpu.memref_slice %arg7[%add3A_82, %dma_start3A_122] : memref<40x128xi32, #tpu.memory_space<vmem>> -> memref<1x128xi32, #tpu.memory_space<vmem>>
        %dma_start3A_124 = tpu.memref_squeeze %dma_start3A_123 : memref<1x128xi32, #tpu.memory_space<vmem>> -> memref<128xi32, #tpu.memory_space<vmem>>
        %dma_start3A_125 = arith.constant 0 : i32
        %dma_start3A_126 = arith.constant 0 : i32
        %dma_start3A_127 = tpu.memref_slice %arg10[%dma_start3A_125, %dma_start3A_126] : memref<10240x128xf32, #tpu.memory_space<vmem_shared>> -> memref<10240x128xf32, #tpu.memory_space<vmem_shared>>
        tpu.enqueue_indirect_dma source(%arg8 : memref<128x128xf32, #tpu.memory_space<vmem>>) target(%dma_start3A_127 : memref<10240x128xf32, #tpu.memory_space<vmem_shared>>) offsets(%dma_start3A_124 : memref<128xi32, #tpu.memory_space<vmem>>) semaphore(%run_scoped3A : memref<!tpu.dma_semaphore, #tpu.memory_space<semaphore_mem>>) {add = true}
        %dma_wait3A_128 = arith.constant 0 : i32
        %dma_wait3A_129 = tpu.memref_slice %arg7[%add3A_82, %dma_wait3A_128] : memref<40x128xi32, #tpu.memory_space<vmem>> -> memref<1x128xi32, #tpu.memory_space<vmem>>
        %dma_wait3A_130 = tpu.memref_squeeze %dma_wait3A_129 : memref<1x128xi32, #tpu.memory_space<vmem>> -> memref<128xi32, #tpu.memory_space<vmem>>
        %dma_wait3A_131 = arith.constant 0 : i32
        %dma_wait3A_132 = arith.constant 0 : i32
        %dma_wait3A_133 = tpu.memref_slice %arg10[%dma_wait3A_131, %dma_wait3A_132] : memref<10240x128xf32, #tpu.memory_space<vmem_shared>> -> memref<10240x128xf32, #tpu.memory_space<vmem_shared>>
        tpu.wait_indirect_dma semaphore(%run_scoped3A : memref<!tpu.dma_semaphore, #tpu.memory_space<semaphore_mem>>) src(%arg8 : memref<128x128xf32, #tpu.memory_space<vmem>>) dst(%dma_wait3A_133 : memref<10240x128xf32, #tpu.memory_space<vmem_shared>>)
        tpu.yield
      }) : () -> ()
      %add3A_89 = arith.constant 2 : i32
      %add3A_90 = arith.addi %add3A_82, %add3A_89 : i32
      %lt3A = arith.constant 40 : i32
      %lt3A_91 = arith.cmpi slt, %add3A_90, %lt3A : i32
      %add3A_92 = arith.constant 2 : i32
      %add3A_93 = arith.addi %add3A_82, %add3A_92 : i32
      %jit3A = arith.constant 0 : i32
      %select_n3A = arith.select %lt3A_91, %add3A_93, %jit3A : i32
      %dma_start3A_94 = arith.constant 0 : i32
      %dma_start3A_95 = tpu.memref_slice %arg6[%select_n3A, %dma_start3A_94] : memref<40x128xi32, #tpu.memory_space<vmem>> -> memref<1x128xi32, #tpu.memory_space<vmem>>
      %dma_start3A_96 = tpu.memref_squeeze %dma_start3A_95 : memref<1x128xi32, #tpu.memory_space<vmem>> -> memref<128xi32, #tpu.memory_space<vmem>>
      %dma_start3A_97 = arith.constant 0 : i32
      %dma_start3A_98 = arith.constant 0 : i32
      %dma_start3A_99 = tpu.memref_slice %arg4[%dma_start3A_97, %dma_start3A_98] : memref<10000x128xf32, #tpu.memory_space<hbm>> -> memref<10000x128xf32, #tpu.memory_space<hbm>>
      tpu.enqueue_indirect_dma source(%dma_start3A_99 : memref<10000x128xf32, #tpu.memory_space<hbm>>) target(%arg8 : memref<128x128xf32, #tpu.memory_space<vmem>>) offsets(%dma_start3A_96 : memref<128xi32, #tpu.memory_space<vmem>>) semaphore(%arg11 : memref<!tpu.dma_semaphore, #tpu.memory_space<semaphore_mem>>)
      %dma_wait3A_100 = arith.constant 0 : i32
      %dma_wait3A_101 = arith.constant 0 : i32
      %dma_wait3A_102 = tpu.memref_slice %arg4[%dma_wait3A_100, %dma_wait3A_101] : memref<10000x128xf32, #tpu.memory_space<hbm>> -> memref<128x128xf32, #tpu.memory_space<hbm>>
      %dma_wait3A_103 = arith.constant 0 : i32
      %dma_wait3A_104 = arith.constant 0 : i32
      %dma_wait3A_105 = tpu.memref_slice %arg4[%dma_wait3A_103, %dma_wait3A_104] : memref<10000x128xf32, #tpu.memory_space<hbm>> -> memref<128x128xf32, #tpu.memory_space<hbm>>
      tpu.wait_dma2 semaphore(%arg12 : memref<!tpu.dma_semaphore, #tpu.memory_space<semaphore_mem>>) src(%dma_wait3A_105 : memref<128x128xf32, #tpu.memory_space<hbm>>) dst(%arg9 : memref<128x128xf32, #tpu.memory_space<vmem>>)
      %add3A_106 = arith.constant 1 : i32
      %add3A_107 = arith.addi %add3A_82, %add3A_106 : i32
      "tpu.region"() ({
        %run_scoped3A = tpu.sem_alloc : memref<!tpu.dma_semaphore, #tpu.memory_space<semaphore_mem>>
        %dma_start3A_122 = arith.constant 0 : i32
        %dma_start3A_123 = tpu.memref_slice %arg7[%add3A_107, %dma_start3A_122] : memref<40x128xi32, #tpu.memory_space<vmem>> -> memref<1x128xi32, #tpu.memory_space<vmem>>
        %dma_start3A_124 = tpu.memref_squeeze %dma_start3A_123 : memref<1x128xi32, #tpu.memory_space<vmem>> -> memref<128xi32, #tpu.memory_space<vmem>>
        %dma_start3A_125 = arith.constant 0 : i32
        %dma_start3A_126 = arith.constant 0 : i32
        %dma_start3A_127 = tpu.memref_slice %arg10[%dma_start3A_125, %dma_start3A_126] : memref<10240x128xf32, #tpu.memory_space<vmem_shared>> -> memref<10240x128xf32, #tpu.memory_space<vmem_shared>>
        tpu.enqueue_indirect_dma source(%arg9 : memref<128x128xf32, #tpu.memory_space<vmem>>) target(%dma_start3A_127 : memref<10240x128xf32, #tpu.memory_space<vmem_shared>>) offsets(%dma_start3A_124 : memref<128xi32, #tpu.memory_space<vmem>>) semaphore(%run_scoped3A : memref<!tpu.dma_semaphore, #tpu.memory_space<semaphore_mem>>) {add = true}
        %dma_wait3A_128 = arith.constant 0 : i32
        %dma_wait3A_129 = tpu.memref_slice %arg7[%add3A_107, %dma_wait3A_128] : memref<40x128xi32, #tpu.memory_space<vmem>> -> memref<1x128xi32, #tpu.memory_space<vmem>>
        %dma_wait3A_130 = tpu.memref_squeeze %dma_wait3A_129 : memref<1x128xi32, #tpu.memory_space<vmem>> -> memref<128xi32, #tpu.memory_space<vmem>>
        %dma_wait3A_131 = arith.constant 0 : i32
        %dma_wait3A_132 = arith.constant 0 : i32
        %dma_wait3A_133 = tpu.memref_slice %arg10[%dma_wait3A_131, %dma_wait3A_132] : memref<10240x128xf32, #tpu.memory_space<vmem_shared>> -> memref<10240x128xf32, #tpu.memory_space<vmem_shared>>
        tpu.wait_indirect_dma semaphore(%run_scoped3A : memref<!tpu.dma_semaphore, #tpu.memory_space<semaphore_mem>>) src(%arg9 : memref<128x128xf32, #tpu.memory_space<vmem>>) dst(%dma_wait3A_133 : memref<10240x128xf32, #tpu.memory_space<vmem_shared>>)
        tpu.yield
      }) : () -> ()
      %add3A_108 = arith.constant 3 : i32
      %add3A_109 = arith.addi %add3A_82, %add3A_108 : i32
      %lt3A_110 = arith.constant 40 : i32
      %lt3A_111 = arith.cmpi slt, %add3A_109, %lt3A_110 : i32
      %add3A_112 = arith.constant 3 : i32
      %add3A_113 = arith.addi %add3A_82, %add3A_112 : i32
      %jit3A_114 = arith.constant 0 : i32
      %select_n3A_115 = arith.select %lt3A_111, %add3A_113, %jit3A_114 : i32
      %dma_start3A_116 = arith.constant 0 : i32
      %dma_start3A_117 = tpu.memref_slice %arg6[%select_n3A_115, %dma_start3A_116] : memref<40x128xi32, #tpu.memory_space<vmem>> -> memref<1x128xi32, #tpu.memory_space<vmem>>
      %dma_start3A_118 = tpu.memref_squeeze %dma_start3A_117 : memref<1x128xi32, #tpu.memory_space<vmem>> -> memref<128xi32, #tpu.memory_space<vmem>>
      %dma_start3A_119 = arith.constant 0 : i32
      %dma_start3A_120 = arith.constant 0 : i32
      %dma_start3A_121 = tpu.memref_slice %arg4[%dma_start3A_119, %dma_start3A_120] : memref<10000x128xf32, #tpu.memory_space<hbm>> -> memref<10000x128xf32, #tpu.memory_space<hbm>>
      tpu.enqueue_indirect_dma source(%dma_start3A_121 : memref<10000x128xf32, #tpu.memory_space<hbm>>) target(%arg9 : memref<128x128xf32, #tpu.memory_space<vmem>>) offsets(%dma_start3A_118 : memref<128xi32, #tpu.memory_space<vmem>>) semaphore(%arg12 : memref<!tpu.dma_semaphore, #tpu.memory_space<semaphore_mem>>)
    }
    %scan3A_59 = arith.constant 20 : i32
    %dma_wait3A_60 = arith.constant 0 : i32
    %dma_wait3A_61 = arith.constant 0 : i32
    %dma_wait3A_62 = tpu.memref_slice %arg4[%dma_wait3A_60, %dma_wait3A_61] : memref<10000x128xf32, #tpu.memory_space<hbm>> -> memref<128x128xf32, #tpu.memory_space<hbm>>
    %dma_wait3A_63 = arith.constant 0 : i32
    %dma_wait3A_64 = arith.constant 0 : i32
    %dma_wait3A_65 = tpu.memref_slice %arg4[%dma_wait3A_63, %dma_wait3A_64] : memref<10000x128xf32, #tpu.memory_space<hbm>> -> memref<128x128xf32, #tpu.memory_space<hbm>>
    tpu.wait_dma2 semaphore(%arg11 : memref<!tpu.dma_semaphore, #tpu.memory_space<semaphore_mem>>) src(%dma_wait3A_65 : memref<128x128xf32, #tpu.memory_space<hbm>>) dst(%arg8 : memref<128x128xf32, #tpu.memory_space<vmem>>)
    %dma_wait3A_66 = arith.constant 0 : i32
    %dma_wait3A_67 = arith.constant 0 : i32
    %dma_wait3A_68 = tpu.memref_slice %arg4[%dma_wait3A_66, %dma_wait3A_67] : memref<10000x128xf32, #tpu.memory_space<hbm>> -> memref<128x128xf32, #tpu.memory_space<hbm>>
    %dma_wait3A_69 = arith.constant 0 : i32
    %dma_wait3A_70 = arith.constant 0 : i32
    %dma_wait3A_71 = tpu.memref_slice %arg4[%dma_wait3A_69, %dma_wait3A_70] : memref<10000x128xf32, #tpu.memory_space<hbm>> -> memref<128x128xf32, #tpu.memory_space<hbm>>
    tpu.wait_dma2 semaphore(%arg12 : memref<!tpu.dma_semaphore, #tpu.memory_space<semaphore_mem>>) src(%dma_wait3A_71 : memref<128x128xf32, #tpu.memory_space<hbm>>) dst(%arg9 : memref<128x128xf32, #tpu.memory_space<vmem>>)
    %barrier3A_72 = arith.constant 0 : index
    tpu.barrier barrier_id(%barrier3A_72)
    %scan3A_73 = arith.constant 0 : i32
    %scan3A_74 = arith.constant 5 : i32
    %scan3A_75 = arith.addi %scan3A_73, %scan3A_74 : i32
    %scan3A_76 = arith.constant 1 : i32
    scf.for %scan3A_78 = %scan3A_73 to %scan3A_75 step %scan3A_76  : i32 {
      %mul3A_79 = arith.constant 128 : i32
      %mul3A_80 = arith.muli %scan3A_78, %mul3A_79 : i32
      %add3A_81 = arith.constant 0 : i32
      %add3A_82 = arith.addi %add3A_81, %mul3A_80 : i32
      %add3A_83 = arith.addi %mul3A_2, %add3A_82 : i32
      %add3A_84 = arith.addi %mul3A_2, %add3A_82 : i32
      "tpu.region"() ({
        %run_scoped3A = tpu.sem_alloc : memref<!tpu.dma_semaphore, #tpu.memory_space<semaphore_mem>>
        %dma_start3A_85 = arith.constant 0 : i32
        %dma_start3A_86 = tpu.memref_slice %arg5[%arg0, %add3A_84, %dma_start3A_85] : memref<2x10240x128xf32, #tpu.memory_space<hbm>> -> memref<1x128x128xf32, #tpu.memory_space<hbm>>
        %dma_start3A_87 = tpu.memref_squeeze %dma_start3A_86 : memref<1x128x128xf32, #tpu.memory_space<hbm>> -> memref<128x128xf32, #tpu.memory_space<hbm>>
        %dma_start3A_88 = arith.constant 0 : i32
        %dma_start3A_89 = tpu.memref_slice %arg10[%add3A_83, %dma_start3A_88] : memref<10240x128xf32, #tpu.memory_space<vmem_shared>> -> memref<128x128xf32, #tpu.memory_space<vmem_shared>>
        tpu.enqueue_dma source(%dma_start3A_89 : memref<128x128xf32, #tpu.memory_space<vmem_shared>>) target(%dma_start3A_87 : memref<128x128xf32, #tpu.memory_space<hbm>>) target_semaphore(%run_scoped3A : memref<!tpu.dma_semaphore, #tpu.memory_space<semaphore_mem>>)
        %dma_wait3A_90 = arith.constant 0 : i32
        %dma_wait3A_91 = tpu.memref_slice %arg5[%arg0, %add3A_84, %dma_wait3A_90] : memref<2x10240x128xf32, #tpu.memory_space<hbm>> -> memref<1x128x128xf32, #tpu.memory_space<hbm>>
        %dma_wait3A_92 = tpu.memref_squeeze %dma_wait3A_91 : memref<1x128x128xf32, #tpu.memory_space<hbm>> -> memref<128x128xf32, #tpu.memory_space<hbm>>
        %dma_wait3A_93 = arith.constant 0 : i32
        %dma_wait3A_94 = tpu.memref_slice %arg10[%add3A_83, %dma_wait3A_93] : memref<10240x128xf32, #tpu.memory_space<vmem_shared>> -> memref<128x128xf32, #tpu.memory_space<vmem_shared>>
        tpu.wait_dma2 semaphore(%run_scoped3A : memref<!tpu.dma_semaphore, #tpu.memory_space<semaphore_mem>>) src(%dma_wait3A_94 : memref<128x128xf32, #tpu.memory_space<vmem_shared>>) dst(%dma_wait3A_92 : memref<128x128xf32, #tpu.memory_space<hbm>>)
        tpu.yield
      }) : () -> ()
    }
    %scan3A_77 = arith.constant 5 : i32
    return
  }
}

#map = affine_map<(d0, d1) -> (0, 0, 0)>
#map1 = affine_map<(d0, d1) -> (0, 0)>
module attributes {stable_mosaic.version = 14 : i64} {
  func.func @_seg_sum_body(%arg0: i32, %arg1: i32, %arg2: memref<32x80x128xi32, #tpu.memory_space<hbm>>, %arg3: memref<32x80x128xi32, #tpu.memory_space<hbm>>, %arg4: memref<10000x128xf32, #tpu.memory_space<hbm>>, %arg5: memref<2x10240x128xf32, #tpu.memory_space<hbm>>, %arg6: memref<40x128xi32, #tpu.memory_space<vmem>>, %arg7: memref<40x128xi32, #tpu.memory_space<vmem>>, %arg8: memref<128x128xf32, #tpu.memory_space<vmem>>, %arg9: memref<128x128xf32, #tpu.memory_space<vmem>>, %arg10: memref<10240x128xf32, #tpu.memory_space<vmem_shared>>, %arg11: memref<!tpu.dma_semaphore, #tpu.memory_space<semaphore_mem>>, %arg12: memref<!tpu.dma_semaphore, #tpu.memory_space<semaphore_mem>>) attributes {dimension_semantics = [#tpu.dimension_semantics<core_parallel>, #tpu.dimension_semantics<subcore_parallel>], iteration_bounds = array<i64: 2, 16>, scalar_prefetch = 0 : i64, scratch_operands = 7 : i64, tpu.core_type = #tpu.core_type<sc_vector_subcore>, window_params = [{transform_indices = #map}, {transform_indices = #map}, {transform_indices = #map1}, {transform_indices = #map}]} {
    %mul3A = arith.constant 2 : i32
    %mul3A_0 = arith.muli %arg1, %mul3A : i32
    %add3A = arith.addi %mul3A_0, %arg0 : i32
    %mul3A_1 = arith.constant 640 : i32
    %mul3A_2 = arith.muli %arg1, %mul3A_1 : i32
    %scan3A = arith.constant 0 : i32
    %scan3A_3 = arith.constant 128 : i32
    %scan3A_4 = arith.addi %scan3A, %scan3A_3 : i32
    %scan3A_5 = arith.constant 1 : i32
    scf.for %scan3A_78 = %scan3A to %scan3A_4 step %scan3A_5  : i32 {
      %mul3A_79 = arith.constant 1 : i32
      %mul3A_80 = arith.muli %scan3A_78, %mul3A_79 : i32
      %add3A_81 = arith.constant 0 : i32
      %add3A_82 = arith.addi %add3A_81, %mul3A_80 : i32
      %scan3A_83 = arith.constant 0 : i32
      %scan3A_84 = arith.constant 8 : i32
      %scan3A_85 = arith.addi %scan3A_83, %scan3A_84 : i32
      %scan3A_86 = arith.constant 1 : i32
      scf.for %scan3A_88 = %scan3A_83 to %scan3A_85 step %scan3A_86  : i32 {
        %mul3A_89 = arith.constant 16 : i32
        %mul3A_90 = arith.muli %scan3A_88, %mul3A_89 : i32
        %add3A_91 = arith.constant 0 : i32
        %add3A_92 = arith.addi %add3A_91, %mul3A_90 : i32
        %broadcast_in_dim3A = arith.constant 0.000000e+00 : f32
        %broadcast_in_dim3A_93 = vector.broadcast %broadcast_in_dim3A : f32 to vector<16xf32>
        %swap3A = arith.index_cast %add3A_82 : i32 to index
        %swap3A_94 = arith.index_cast %add3A_92 : i32 to index
        %swap3A_95 = tpu.vector_load %arg8[%swap3A, %swap3A_94] {strides = array<i32>} : memref<128x128xf32, #tpu.memory_space<vmem>>, vector<1x16xf32>,
        %swap3A_96 = vector.shape_cast %swap3A_95 : vector<1x16xf32> to vector<16xf32>
        %swap3A_97 = vector.shape_cast %broadcast_in_dim3A_93 : vector<16xf32> to vector<1x16xf32>
        tpu.vector_store %arg8[%swap3A, %swap3A_94], %swap3A_97 {strides = array<i32>} : memref<128x128xf32, #tpu.memory_space<vmem>>, vector<1x16xf32>,
      }
      %scan3A_87 = arith.constant 8 : i32
    }
    %scan3A_6 = arith.constant 128 : i32
    %scan3A_7 = arith.constant 0 : i32
    %scan3A_8 = arith.constant 5 : i32
    %scan3A_9 = arith.addi %scan3A_7, %scan3A_8 : i32
    %scan3A_10 = arith.constant 1 : i32
    scf.for %scan3A_78 = %scan3A_7 to %scan3A_9 step %scan3A_10  : i32 {
      %mul3A_79 = arith.constant 128 : i32
      %mul3A_80 = arith.muli %scan3A_78, %mul3A_79 : i32
      %add3A_81 = arith.constant 0 : i32
      %add3A_82 = arith.addi %add3A_81, %mul3A_80 : i32
      %add3A_83 = arith.addi %mul3A_2, %add3A_82 : i32
      "tpu.region"() ({
        %run_scoped3A = tpu.sem_alloc : memref<!tpu.dma_semaphore, #tpu.memory_space<semaphore_mem>>
        %dma_start3A_84 = arith.constant 0 : i32
        %dma_start3A_85 = arith.constant 0 : i32
        %dma_start3A_86 = tpu.memref_slice %arg8[%dma_start3A_84, %dma_start3A_85] : memref<128x128xf32, #tpu.memory_space<vmem>> -> memref<128x128xf32, #tpu.memory_space<vmem>>
        %dma_start3A_87 = arith.constant 0 : i32
        %dma_start3A_88 = tpu.memref_slice %arg10[%add3A_83, %dma_start3A_87] : memref<10240x128xf32, #tpu.memory_space<vmem_shared>> -> memref<128x128xf32, #tpu.memory_space<vmem_shared>>
        %dma_start3A_89 = arith.constant 0 : i32
        %dma_start3A_90 = tpu.memref_slice %arg10[%add3A_83, %dma_start3A_89] : memref<10240x128xf32, #tpu.memory_space<vmem_shared>> -> memref<128x128xf32, #tpu.memory_space<vmem_shared>>
        %dma_start3A_91 = arith.constant 0 : i32
        %dma_start3A_92 = arith.constant 0 : i32
        %dma_start3A_93 = tpu.memref_slice %arg8[%dma_start3A_91, %dma_start3A_92] : memref<128x128xf32, #tpu.memory_space<vmem>> -> memref<128x128xf32, #tpu.memory_space<vmem>>
        tpu.enqueue_dma source(%dma_start3A_93 : memref<128x128xf32, #tpu.memory_space<vmem>>) target(%dma_start3A_90 : memref<128x128xf32, #tpu.memory_space<vmem_shared>>) target_semaphore(%run_scoped3A : memref<!tpu.dma_semaphore, #tpu.memory_space<semaphore_mem>>)
        %dma_wait3A_94 = arith.constant 0 : i32
        %dma_wait3A_95 = arith.constant 0 : i32
        %dma_wait3A_96 = tpu.memref_slice %arg8[%dma_wait3A_94, %dma_wait3A_95] : memref<128x128xf32, #tpu.memory_space<vmem>> -> memref<128x128xf32, #tpu.memory_space<vmem>>
        %dma_wait3A_97 = arith.constant 0 : i32
        %dma_wait3A_98 = tpu.memref_slice %arg10[%add3A_83, %dma_wait3A_97] : memref<10240x128xf32, #tpu.memory_space<vmem_shared>> -> memref<128x128xf32, #tpu.memory_space<vmem_shared>>
        %dma_wait3A_99 = arith.constant 0 : i32
        %dma_wait3A_100 = tpu.memref_slice %arg10[%add3A_83, %dma_wait3A_99] : memref<10240x128xf32, #tpu.memory_space<vmem_shared>> -> memref<128x128xf32, #tpu.memory_space<vmem_shared>>
        %dma_wait3A_101 = arith.constant 0 : i32
        %dma_wait3A_102 = arith.constant 0 : i32
        %dma_wait3A_103 = tpu.memref_slice %arg8[%dma_wait3A_101, %dma_wait3A_102] : memref<128x128xf32, #tpu.memory_space<vmem>> -> memref<128x128xf32, #tpu.memory_space<vmem>>
        tpu.wait_dma2 semaphore(%run_scoped3A : memref<!tpu.dma_semaphore, #tpu.memory_space<semaphore_mem>>) src(%dma_wait3A_103 : memref<128x128xf32, #tpu.memory_space<vmem>>) dst(%dma_wait3A_100 : memref<128x128xf32, #tpu.memory_space<vmem_shared>>)
        tpu.yield
      }) : () -> ()
    }
    %scan3A_11 = arith.constant 5 : i32
    %barrier3A = arith.constant 0 : index
    tpu.barrier barrier_id(%barrier3A)
    "tpu.region"() ({
      %run_scoped3A = tpu.sem_alloc : memref<!tpu.dma_semaphore, #tpu.memory_space<semaphore_mem>>
      %dma_start3A_78 = arith.constant 0 : i32
      %dma_start3A_79 = arith.constant 0 : i32
      %dma_start3A_80 = tpu.memref_slice %arg2[%add3A, %dma_start3A_78, %dma_start3A_79] : memref<32x80x128xi32, #tpu.memory_space<hbm>> -> memref<1x40x128xi32, #tpu.memory_space<hbm>>
      %dma_start3A_81 = tpu.memref_squeeze %dma_start3A_80 : memref<1x40x128xi32, #tpu.memory_space<hbm>> -> memref<40x128xi32, #tpu.memory_space<hbm>>
      %dma_start3A_82 = arith.constant 0 : i32
      %dma_start3A_83 = arith.constant 0 : i32
      %dma_start3A_84 = tpu.memref_slice %arg2[%add3A, %dma_start3A_82, %dma_start3A_83] : memref<32x80x128xi32, #tpu.memory_space<hbm>> -> memref<1x40x128xi32, #tpu.memory_space<hbm>>
      %dma_start3A_85 = tpu.memref_squeeze %dma_start3A_84 : memref<1x40x128xi32, #tpu.memory_space<hbm>> -> memref<40x128xi32, #tpu.memory_space<hbm>>
      tpu.enqueue_dma source(%dma_start3A_85 : memref<40x128xi32, #tpu.memory_space<hbm>>) target(%arg6 : memref<40x128xi32, #tpu.memory_space<vmem>>) target_semaphore(%run_scoped3A : memref<!tpu.dma_semaphore, #tpu.memory_space<semaphore_mem>>)
      %dma_wait3A_86 = arith.constant 0 : i32
      %dma_wait3A_87 = arith.constant 0 : i32
      %dma_wait3A_88 = tpu.memref_slice %arg2[%add3A, %dma_wait3A_86, %dma_wait3A_87] : memref<32x80x128xi32, #tpu.memory_space<hbm>> -> memref<1x40x128xi32, #tpu.memory_space<hbm>>
      %dma_wait3A_89 = tpu.memref_squeeze %dma_wait3A_88 : memref<1x40x128xi32, #tpu.memory_space<hbm>> -> memref<40x128xi32, #tpu.memory_space<hbm>>
      %dma_wait3A_90 = arith.constant 0 : i32
      %dma_wait3A_91 = arith.constant 0 : i32
      %dma_wait3A_92 = tpu.memref_slice %arg2[%add3A, %dma_wait3A_90, %dma_wait3A_91] : memref<32x80x128xi32, #tpu.memory_space<hbm>> -> memref<1x40x128xi32, #tpu.memory_space<hbm>>
      %dma_wait3A_93 = tpu.memref_squeeze %dma_wait3A_92 : memref<1x40x128xi32, #tpu.memory_space<hbm>> -> memref<40x128xi32, #tpu.memory_space<hbm>>
      tpu.wait_dma2 semaphore(%run_scoped3A : memref<!tpu.dma_semaphore, #tpu.memory_space<semaphore_mem>>) src(%dma_wait3A_93 : memref<40x128xi32, #tpu.memory_space<hbm>>) dst(%arg6 : memref<40x128xi32, #tpu.memory_space<vmem>>)
      tpu.yield
    }) : () -> ()
    "tpu.region"() ({
      %run_scoped3A = tpu.sem_alloc : memref<!tpu.dma_semaphore, #tpu.memory_space<semaphore_mem>>
      %dma_start3A_78 = arith.constant 0 : i32
      %dma_start3A_79 = arith.constant 0 : i32
      %dma_start3A_80 = tpu.memref_slice %arg3[%add3A, %dma_start3A_78, %dma_start3A_79] : memref<32x80x128xi32, #tpu.memory_space<hbm>> -> memref<1x40x128xi32, #tpu.memory_space<hbm>>
      %dma_start3A_81 = tpu.memref_squeeze %dma_start3A_80 : memref<1x40x128xi32, #tpu.memory_space<hbm>> -> memref<40x128xi32, #tpu.memory_space<hbm>>
      %dma_start3A_82 = arith.constant 0 : i32
      %dma_start3A_83 = arith.constant 0 : i32
      %dma_start3A_84 = tpu.memref_slice %arg3[%add3A, %dma_start3A_82, %dma_start3A_83] : memref<32x80x128xi32, #tpu.memory_space<hbm>> -> memref<1x40x128xi32, #tpu.memory_space<hbm>>
      %dma_start3A_85 = tpu.memref_squeeze %dma_start3A_84 : memref<1x40x128xi32, #tpu.memory_space<hbm>> -> memref<40x128xi32, #tpu.memory_space<hbm>>
      tpu.enqueue_dma source(%dma_start3A_85 : memref<40x128xi32, #tpu.memory_space<hbm>>) target(%arg7 : memref<40x128xi32, #tpu.memory_space<vmem>>) target_semaphore(%run_scoped3A : memref<!tpu.dma_semaphore, #tpu.memory_space<semaphore_mem>>)
      %dma_wait3A_86 = arith.constant 0 : i32
      %dma_wait3A_87 = arith.constant 0 : i32
      %dma_wait3A_88 = tpu.memref_slice %arg3[%add3A, %dma_wait3A_86, %dma_wait3A_87] : memref<32x80x128xi32, #tpu.memory_space<hbm>> -> memref<1x40x128xi32, #tpu.memory_space<hbm>>
      %dma_wait3A_89 = tpu.memref_squeeze %dma_wait3A_88 : memref<1x40x128xi32, #tpu.memory_space<hbm>> -> memref<40x128xi32, #tpu.memory_space<hbm>>
      %dma_wait3A_90 = arith.constant 0 : i32
      %dma_wait3A_91 = arith.constant 0 : i32
      %dma_wait3A_92 = tpu.memref_slice %arg3[%add3A, %dma_wait3A_90, %dma_wait3A_91] : memref<32x80x128xi32, #tpu.memory_space<hbm>> -> memref<1x40x128xi32, #tpu.memory_space<hbm>>
      %dma_wait3A_93 = tpu.memref_squeeze %dma_wait3A_92 : memref<1x40x128xi32, #tpu.memory_space<hbm>> -> memref<40x128xi32, #tpu.memory_space<hbm>>
      tpu.wait_dma2 semaphore(%run_scoped3A : memref<!tpu.dma_semaphore, #tpu.memory_space<semaphore_mem>>) src(%dma_wait3A_93 : memref<40x128xi32, #tpu.memory_space<hbm>>) dst(%arg7 : memref<40x128xi32, #tpu.memory_space<vmem>>)
      tpu.yield
    }) : () -> ()
    %dma_start3A = arith.constant 0 : i32
    %dma_start3A_12 = arith.constant 0 : i32
    %dma_start3A_13 = tpu.memref_slice %arg6[%dma_start3A, %dma_start3A_12] : memref<40x128xi32, #tpu.memory_space<vmem>> -> memref<1x128xi32, #tpu.memory_space<vmem>>
    %dma_start3A_14 = tpu.memref_squeeze %dma_start3A_13 : memref<1x128xi32, #tpu.memory_space<vmem>> -> memref<128xi32, #tpu.memory_space<vmem>>
    %dma_start3A_15 = arith.constant 0 : i32
    %dma_start3A_16 = arith.constant 0 : i32
    %dma_start3A_17 = tpu.memref_slice %arg4[%dma_start3A_15, %dma_start3A_16] : memref<10000x128xf32, #tpu.memory_space<hbm>> -> memref<10000x128xf32, #tpu.memory_space<hbm>>
    tpu.enqueue_indirect_dma source(%dma_start3A_17 : memref<10000x128xf32, #tpu.memory_space<hbm>>) target(%arg8 : memref<128x128xf32, #tpu.memory_space<vmem>>) offsets(%dma_start3A_14 : memref<128xi32, #tpu.memory_space<vmem>>) semaphore(%arg11 : memref<!tpu.dma_semaphore, #tpu.memory_space<semaphore_mem>>)
    %dma_start3A_18 = arith.constant 1 : i32
    %dma_start3A_19 = arith.constant 0 : i32
    %dma_start3A_20 = tpu.memref_slice %arg6[%dma_start3A_18, %dma_start3A_19] : memref<40x128xi32, #tpu.memory_space<vmem>> -> memref<1x128xi32, #tpu.memory_space<vmem>>
    %dma_start3A_21 = tpu.memref_squeeze %dma_start3A_20 : memref<1x128xi32, #tpu.memory_space<vmem>> -> memref<128xi32, #tpu.memory_space<vmem>>
    %dma_start3A_22 = arith.constant 0 : i32
    %dma_start3A_23 = arith.constant 0 : i32
    %dma_start3A_24 = tpu.memref_slice %arg4[%dma_start3A_22, %dma_start3A_23] : memref<10000x128xf32, #tpu.memory_space<hbm>> -> memref<10000x128xf32, #tpu.memory_space<hbm>>
    tpu.enqueue_indirect_dma source(%dma_start3A_24 : memref<10000x128xf32, #tpu.memory_space<hbm>>) target(%arg9 : memref<128x128xf32, #tpu.memory_space<vmem>>) offsets(%dma_start3A_21 : memref<128xi32, #tpu.memory_space<vmem>>) semaphore(%arg12 : memref<!tpu.dma_semaphore, #tpu.memory_space<semaphore_mem>>)
    %scan3A_25 = arith.constant 0 : i32
    %scan3A_26 = arith.constant 20 : i32
    %scan3A_27 = arith.addi %scan3A_25, %scan3A_26 : i32
    %scan3A_28 = arith.constant 1 : i32
    scf.for %scan3A_78 = %scan3A_25 to %scan3A_27 step %scan3A_28  : i32 {
      %mul3A_79 = arith.constant 2 : i32
      %mul3A_80 = arith.muli %scan3A_78, %mul3A_79 : i32
      %add3A_81 = arith.constant 0 : i32
      %add3A_82 = arith.addi %add3A_81, %mul3A_80 : i32
      %dma_wait3A_83 = arith.constant 0 : i32
      %dma_wait3A_84 = arith.constant 0 : i32
      %dma_wait3A_85 = tpu.memref_slice %arg4[%dma_wait3A_83, %dma_wait3A_84] : memref<10000x128xf32, #tpu.memory_space<hbm>> -> memref<128x128xf32, #tpu.memory_space<hbm>>
      %dma_wait3A_86 = arith.constant 0 : i32
      %dma_wait3A_87 = arith.constant 0 : i32
      %dma_wait3A_88 = tpu.memref_slice %arg4[%dma_wait3A_86, %dma_wait3A_87] : memref<10000x128xf32, #tpu.memory_space<hbm>> -> memref<128x128xf32, #tpu.memory_space<hbm>>
      tpu.wait_dma2 semaphore(%arg11 : memref<!tpu.dma_semaphore, #tpu.memory_space<semaphore_mem>>) src(%dma_wait3A_88 : memref<128x128xf32, #tpu.memory_space<hbm>>) dst(%arg8 : memref<128x128xf32, #tpu.memory_space<vmem>>)
      "tpu.region"() ({
        %run_scoped3A = tpu.sem_alloc : memref<!tpu.dma_semaphore, #tpu.memory_space<semaphore_mem>>
        %dma_start3A_122 = arith.constant 0 : i32
        %dma_start3A_123 = tpu.memref_slice %arg7[%add3A_82, %dma_start3A_122] : memref<40x128xi32, #tpu.memory_space<vmem>> -> memref<1x128xi32, #tpu.memory_space<vmem>>
        %dma_start3A_124 = tpu.memref_squeeze %dma_start3A_123 : memref<1x128xi32, #tpu.memory_space<vmem>> -> memref<128xi32, #tpu.memory_space<vmem>>
        %dma_start3A_125 = arith.constant 0 : i32
        %dma_start3A_126 = arith.constant 0 : i32
        %dma_start3A_127 = tpu.memref_slice %arg10[%dma_start3A_125, %dma_start3A_126] : memref<10240x128xf32, #tpu.memory_space<vmem_shared>> -> memref<10240x128xf32, #tpu.memory_space<vmem_shared>>
        tpu.enqueue_indirect_dma source(%arg8 : memref<128x128xf32, #tpu.memory_space<vmem>>) target(%dma_start3A_127 : memref<10240x128xf32, #tpu.memory_space<vmem_shared>>) offsets(%dma_start3A_124 : memref<128xi32, #tpu.memory_space<vmem>>) semaphore(%run_scoped3A : memref<!tpu.dma_semaphore, #tpu.memory_space<semaphore_mem>>) {add = true}
        %dma_wait3A_128 = arith.constant 0 : i32
        %dma_wait3A_129 = tpu.memref_slice %arg7[%add3A_82, %dma_wait3A_128] : memref<40x128xi32, #tpu.memory_space<vmem>> -> memref<1x128xi32, #tpu.memory_space<vmem>>
        %dma_wait3A_130 = tpu.memref_squeeze %dma_wait3A_129 : memref<1x128xi32, #tpu.memory_space<vmem>> -> memref<128xi32, #tpu.memory_space<vmem>>
        %dma_wait3A_131 = arith.constant 0 : i32
        %dma_wait3A_132 = arith.constant 0 : i32
        %dma_wait3A_133 = tpu.memref_slice %arg10[%dma_wait3A_131, %dma_wait3A_132] : memref<10240x128xf32, #tpu.memory_space<vmem_shared>> -> memref<10240x128xf32, #tpu.memory_space<vmem_shared>>
        tpu.wait_indirect_dma semaphore(%run_scoped3A : memref<!tpu.dma_semaphore, #tpu.memory_space<semaphore_mem>>) src(%arg8 : memref<128x128xf32, #tpu.memory_space<vmem>>) dst(%dma_wait3A_133 : memref<10240x128xf32, #tpu.memory_space<vmem_shared>>)
        tpu.yield
      }) : () -> ()
      %add3A_89 = arith.constant 2 : i32
      %add3A_90 = arith.addi %add3A_82, %add3A_89 : i32
      %lt3A = arith.constant 40 : i32
      %lt3A_91 = arith.cmpi slt, %add3A_90, %lt3A : i32
      %add3A_92 = arith.constant 2 : i32
      %add3A_93 = arith.addi %add3A_82, %add3A_92 : i32
      %jit3A = arith.constant 0 : i32
      %select_n3A = arith.select %lt3A_91, %add3A_93, %jit3A : i32
      %dma_start3A_94 = arith.constant 0 : i32
      %dma_start3A_95 = tpu.memref_slice %arg6[%select_n3A, %dma_start3A_94] : memref<40x128xi32, #tpu.memory_space<vmem>> -> memref<1x128xi32, #tpu.memory_space<vmem>>
      %dma_start3A_96 = tpu.memref_squeeze %dma_start3A_95 : memref<1x128xi32, #tpu.memory_space<vmem>> -> memref<128xi32, #tpu.memory_space<vmem>>
      %dma_start3A_97 = arith.constant 0 : i32
      %dma_start3A_98 = arith.constant 0 : i32
      %dma_start3A_99 = tpu.memref_slice %arg4[%dma_start3A_97, %dma_start3A_98] : memref<10000x128xf32, #tpu.memory_space<hbm>> -> memref<10000x128xf32, #tpu.memory_space<hbm>>
      tpu.enqueue_indirect_dma source(%dma_start3A_99 : memref<10000x128xf32, #tpu.memory_space<hbm>>) target(%arg8 : memref<128x128xf32, #tpu.memory_space<vmem>>) offsets(%dma_start3A_96 : memref<128xi32, #tpu.memory_space<vmem>>) semaphore(%arg11 : memref<!tpu.dma_semaphore, #tpu.memory_space<semaphore_mem>>)
      %dma_wait3A_100 = arith.constant 0 : i32
      %dma_wait3A_101 = arith.constant 0 : i32
      %dma_wait3A_102 = tpu.memref_slice %arg4[%dma_wait3A_100, %dma_wait3A_101] : memref<10000x128xf32, #tpu.memory_space<hbm>> -> memref<128x128xf32, #tpu.memory_space<hbm>>
      %dma_wait3A_103 = arith.constant 0 : i32
      %dma_wait3A_104 = arith.constant 0 : i32
      %dma_wait3A_105 = tpu.memref_slice %arg4[%dma_wait3A_103, %dma_wait3A_104] : memref<10000x128xf32, #tpu.memory_space<hbm>> -> memref<128x128xf32, #tpu.memory_space<hbm>>
      tpu.wait_dma2 semaphore(%arg12 : memref<!tpu.dma_semaphore, #tpu.memory_space<semaphore_mem>>) src(%dma_wait3A_105 : memref<128x128xf32, #tpu.memory_space<hbm>>) dst(%arg9 : memref<128x128xf32, #tpu.memory_space<vmem>>)
      %add3A_106 = arith.constant 1 : i32
      %add3A_107 = arith.addi %add3A_82, %add3A_106 : i32
      "tpu.region"() ({
        %run_scoped3A = tpu.sem_alloc : memref<!tpu.dma_semaphore, #tpu.memory_space<semaphore_mem>>
        %dma_start3A_122 = arith.constant 0 : i32
        %dma_start3A_123 = tpu.memref_slice %arg7[%add3A_107, %dma_start3A_122] : memref<40x128xi32, #tpu.memory_space<vmem>> -> memref<1x128xi32, #tpu.memory_space<vmem>>
        %dma_start3A_124 = tpu.memref_squeeze %dma_start3A_123 : memref<1x128xi32, #tpu.memory_space<vmem>> -> memref<128xi32, #tpu.memory_space<vmem>>
        %dma_start3A_125 = arith.constant 0 : i32
        %dma_start3A_126 = arith.constant 0 : i32
        %dma_start3A_127 = tpu.memref_slice %arg10[%dma_start3A_125, %dma_start3A_126] : memref<10240x128xf32, #tpu.memory_space<vmem_shared>> -> memref<10240x128xf32, #tpu.memory_space<vmem_shared>>
        tpu.enqueue_indirect_dma source(%arg9 : memref<128x128xf32, #tpu.memory_space<vmem>>) target(%dma_start3A_127 : memref<10240x128xf32, #tpu.memory_space<vmem_shared>>) offsets(%dma_start3A_124 : memref<128xi32, #tpu.memory_space<vmem>>) semaphore(%run_scoped3A : memref<!tpu.dma_semaphore, #tpu.memory_space<semaphore_mem>>) {add = true}
        %dma_wait3A_128 = arith.constant 0 : i32
        %dma_wait3A_129 = tpu.memref_slice %arg7[%add3A_107, %dma_wait3A_128] : memref<40x128xi32, #tpu.memory_space<vmem>> -> memref<1x128xi32, #tpu.memory_space<vmem>>
        %dma_wait3A_130 = tpu.memref_squeeze %dma_wait3A_129 : memref<1x128xi32, #tpu.memory_space<vmem>> -> memref<128xi32, #tpu.memory_space<vmem>>
        %dma_wait3A_131 = arith.constant 0 : i32
        %dma_wait3A_132 = arith.constant 0 : i32
        %dma_wait3A_133 = tpu.memref_slice %arg10[%dma_wait3A_131, %dma_wait3A_132] : memref<10240x128xf32, #tpu.memory_space<vmem_shared>> -> memref<10240x128xf32, #tpu.memory_space<vmem_shared>>
        tpu.wait_indirect_dma semaphore(%run_scoped3A : memref<!tpu.dma_semaphore, #tpu.memory_space<semaphore_mem>>) src(%arg9 : memref<128x128xf32, #tpu.memory_space<vmem>>) dst(%dma_wait3A_133 : memref<10240x128xf32, #tpu.memory_space<vmem_shared>>)
        tpu.yield
      }) : () -> ()
      %add3A_108 = arith.constant 3 : i32
      %add3A_109 = arith.addi %add3A_82, %add3A_108 : i32
      %lt3A_110 = arith.constant 40 : i32
      %lt3A_111 = arith.cmpi slt, %add3A_109, %lt3A_110 : i32
      %add3A_112 = arith.constant 3 : i32
      %add3A_113 = arith.addi %add3A_82, %add3A_112 : i32
      %jit3A_114 = arith.constant 0 : i32
      %select_n3A_115 = arith.select %lt3A_111, %add3A_113, %jit3A_114 : i32
      %dma_start3A_116 = arith.constant 0 : i32
      %dma_start3A_117 = tpu.memref_slice %arg6[%select_n3A_115, %dma_start3A_116] : memref<40x128xi32, #tpu.memory_space<vmem>> -> memref<1x128xi32, #tpu.memory_space<vmem>>
      %dma_start3A_118 = tpu.memref_squeeze %dma_start3A_117 : memref<1x128xi32, #tpu.memory_space<vmem>> -> memref<128xi32, #tpu.memory_space<vmem>>
      %dma_start3A_119 = arith.constant 0 : i32
      %dma_start3A_120 = arith.constant 0 : i32
      %dma_start3A_121 = tpu.memref_slice %arg4[%dma_start3A_119, %dma_start3A_120] : memref<10000x128xf32, #tpu.memory_space<hbm>> -> memref<10000x128xf32, #tpu.memory_space<hbm>>
      tpu.enqueue_indirect_dma source(%dma_start3A_121 : memref<10000x128xf32, #tpu.memory_space<hbm>>) target(%arg9 : memref<128x128xf32, #tpu.memory_space<vmem>>) offsets(%dma_start3A_118 : memref<128xi32, #tpu.memory_space<vmem>>) semaphore(%arg12 : memref<!tpu.dma_semaphore, #tpu.memory_space<semaphore_mem>>)
    }
    %scan3A_29 = arith.constant 20 : i32
    %dma_wait3A = arith.constant 0 : i32
    %dma_wait3A_30 = arith.constant 0 : i32
    %dma_wait3A_31 = tpu.memref_slice %arg4[%dma_wait3A, %dma_wait3A_30] : memref<10000x128xf32, #tpu.memory_space<hbm>> -> memref<128x128xf32, #tpu.memory_space<hbm>>
    %dma_wait3A_32 = arith.constant 0 : i32
    %dma_wait3A_33 = arith.constant 0 : i32
    %dma_wait3A_34 = tpu.memref_slice %arg4[%dma_wait3A_32, %dma_wait3A_33] : memref<10000x128xf32, #tpu.memory_space<hbm>> -> memref<128x128xf32, #tpu.memory_space<hbm>>
    tpu.wait_dma2 semaphore(%arg11 : memref<!tpu.dma_semaphore, #tpu.memory_space<semaphore_mem>>) src(%dma_wait3A_34 : memref<128x128xf32, #tpu.memory_space<hbm>>) dst(%arg8 : memref<128x128xf32, #tpu.memory_space<vmem>>)
    %dma_wait3A_35 = arith.constant 0 : i32
    %dma_wait3A_36 = arith.constant 0 : i32
    %dma_wait3A_37 = tpu.memref_slice %arg4[%dma_wait3A_35, %dma_wait3A_36] : memref<10000x128xf32, #tpu.memory_space<hbm>> -> memref<128x128xf32, #tpu.memory_space<hbm>>
    %dma_wait3A_38 = arith.constant 0 : i32
    %dma_wait3A_39 = arith.constant 0 : i32
    %dma_wait3A_40 = tpu.memref_slice %arg4[%dma_wait3A_38, %dma_wait3A_39] : memref<10000x128xf32, #tpu.memory_space<hbm>> -> memref<128x128xf32, #tpu.memory_space<hbm>>
    tpu.wait_dma2 semaphore(%arg12 : memref<!tpu.dma_semaphore, #tpu.memory_space<semaphore_mem>>) src(%dma_wait3A_40 : memref<128x128xf32, #tpu.memory_space<hbm>>) dst(%arg9 : memref<128x128xf32, #tpu.memory_space<vmem>>)
    "tpu.region"() ({
      %run_scoped3A = tpu.sem_alloc : memref<!tpu.dma_semaphore, #tpu.memory_space<semaphore_mem>>
      %dma_start3A_78 = arith.constant 40 : i32
      %dma_start3A_79 = arith.constant 0 : i32
      %dma_start3A_80 = tpu.memref_slice %arg2[%add3A, %dma_start3A_78, %dma_start3A_79] : memref<32x80x128xi32, #tpu.memory_space<hbm>> -> memref<1x40x128xi32, #tpu.memory_space<hbm>>
      %dma_start3A_81 = tpu.memref_squeeze %dma_start3A_80 : memref<1x40x128xi32, #tpu.memory_space<hbm>> -> memref<40x128xi32, #tpu.memory_space<hbm>>
      %dma_start3A_82 = arith.constant 40 : i32
      %dma_start3A_83 = arith.constant 0 : i32
      %dma_start3A_84 = tpu.memref_slice %arg2[%add3A, %dma_start3A_82, %dma_start3A_83] : memref<32x80x128xi32, #tpu.memory_space<hbm>> -> memref<1x40x128xi32, #tpu.memory_space<hbm>>
      %dma_start3A_85 = tpu.memref_squeeze %dma_start3A_84 : memref<1x40x128xi32, #tpu.memory_space<hbm>> -> memref<40x128xi32, #tpu.memory_space<hbm>>
      tpu.enqueue_dma source(%dma_start3A_85 : memref<40x128xi32, #tpu.memory_space<hbm>>) target(%arg6 : memref<40x128xi32, #tpu.memory_space<vmem>>) target_semaphore(%run_scoped3A : memref<!tpu.dma_semaphore, #tpu.memory_space<semaphore_mem>>)
      %dma_wait3A_86 = arith.constant 40 : i32
      %dma_wait3A_87 = arith.constant 0 : i32
      %dma_wait3A_88 = tpu.memref_slice %arg2[%add3A, %dma_wait3A_86, %dma_wait3A_87] : memref<32x80x128xi32, #tpu.memory_space<hbm>> -> memref<1x40x128xi32, #tpu.memory_space<hbm>>
      %dma_wait3A_89 = tpu.memref_squeeze %dma_wait3A_88 : memref<1x40x128xi32, #tpu.memory_space<hbm>> -> memref<40x128xi32, #tpu.memory_space<hbm>>
      %dma_wait3A_90 = arith.constant 40 : i32
      %dma_wait3A_91 = arith.constant 0 : i32
      %dma_wait3A_92 = tpu.memref_slice %arg2[%add3A, %dma_wait3A_90, %dma_wait3A_91] : memref<32x80x128xi32, #tpu.memory_space<hbm>> -> memref<1x40x128xi32, #tpu.memory_space<hbm>>
      %dma_wait3A_93 = tpu.memref_squeeze %dma_wait3A_92 : memref<1x40x128xi32, #tpu.memory_space<hbm>> -> memref<40x128xi32, #tpu.memory_space<hbm>>
      tpu.wait_dma2 semaphore(%run_scoped3A : memref<!tpu.dma_semaphore, #tpu.memory_space<semaphore_mem>>) src(%dma_wait3A_93 : memref<40x128xi32, #tpu.memory_space<hbm>>) dst(%arg6 : memref<40x128xi32, #tpu.memory_space<vmem>>)
      tpu.yield
    }) : () -> ()
    "tpu.region"() ({
      %run_scoped3A = tpu.sem_alloc : memref<!tpu.dma_semaphore, #tpu.memory_space<semaphore_mem>>
      %dma_start3A_78 = arith.constant 40 : i32
      %dma_start3A_79 = arith.constant 0 : i32
      %dma_start3A_80 = tpu.memref_slice %arg3[%add3A, %dma_start3A_78, %dma_start3A_79] : memref<32x80x128xi32, #tpu.memory_space<hbm>> -> memref<1x40x128xi32, #tpu.memory_space<hbm>>
      %dma_start3A_81 = tpu.memref_squeeze %dma_start3A_80 : memref<1x40x128xi32, #tpu.memory_space<hbm>> -> memref<40x128xi32, #tpu.memory_space<hbm>>
      %dma_start3A_82 = arith.constant 40 : i32
      %dma_start3A_83 = arith.constant 0 : i32
      %dma_start3A_84 = tpu.memref_slice %arg3[%add3A, %dma_start3A_82, %dma_start3A_83] : memref<32x80x128xi32, #tpu.memory_space<hbm>> -> memref<1x40x128xi32, #tpu.memory_space<hbm>>
      %dma_start3A_85 = tpu.memref_squeeze %dma_start3A_84 : memref<1x40x128xi32, #tpu.memory_space<hbm>> -> memref<40x128xi32, #tpu.memory_space<hbm>>
      tpu.enqueue_dma source(%dma_start3A_85 : memref<40x128xi32, #tpu.memory_space<hbm>>) target(%arg7 : memref<40x128xi32, #tpu.memory_space<vmem>>) target_semaphore(%run_scoped3A : memref<!tpu.dma_semaphore, #tpu.memory_space<semaphore_mem>>)
      %dma_wait3A_86 = arith.constant 40 : i32
      %dma_wait3A_87 = arith.constant 0 : i32
      %dma_wait3A_88 = tpu.memref_slice %arg3[%add3A, %dma_wait3A_86, %dma_wait3A_87] : memref<32x80x128xi32, #tpu.memory_space<hbm>> -> memref<1x40x128xi32, #tpu.memory_space<hbm>>
      %dma_wait3A_89 = tpu.memref_squeeze %dma_wait3A_88 : memref<1x40x128xi32, #tpu.memory_space<hbm>> -> memref<40x128xi32, #tpu.memory_space<hbm>>
      %dma_wait3A_90 = arith.constant 40 : i32
      %dma_wait3A_91 = arith.constant 0 : i32
      %dma_wait3A_92 = tpu.memref_slice %arg3[%add3A, %dma_wait3A_90, %dma_wait3A_91] : memref<32x80x128xi32, #tpu.memory_space<hbm>> -> memref<1x40x128xi32, #tpu.memory_space<hbm>>
      %dma_wait3A_93 = tpu.memref_squeeze %dma_wait3A_92 : memref<1x40x128xi32, #tpu.memory_space<hbm>> -> memref<40x128xi32, #tpu.memory_space<hbm>>
      tpu.wait_dma2 semaphore(%run_scoped3A : memref<!tpu.dma_semaphore, #tpu.memory_space<semaphore_mem>>) src(%dma_wait3A_93 : memref<40x128xi32, #tpu.memory_space<hbm>>) dst(%arg7 : memref<40x128xi32, #tpu.memory_space<vmem>>)
      tpu.yield
    }) : () -> ()
    %dma_start3A_41 = arith.constant 0 : i32
    %dma_start3A_42 = arith.constant 0 : i32
    %dma_start3A_43 = tpu.memref_slice %arg6[%dma_start3A_41, %dma_start3A_42] : memref<40x128xi32, #tpu.memory_space<vmem>> -> memref<1x128xi32, #tpu.memory_space<vmem>>
    %dma_start3A_44 = tpu.memref_squeeze %dma_start3A_43 : memref<1x128xi32, #tpu.memory_space<vmem>> -> memref<128xi32, #tpu.memory_space<vmem>>
    %dma_start3A_45 = arith.constant 0 : i32
    %dma_start3A_46 = arith.constant 0 : i32
    %dma_start3A_47 = tpu.memref_slice %arg4[%dma_start3A_45, %dma_start3A_46] : memref<10000x128xf32, #tpu.memory_space<hbm>> -> memref<10000x128xf32, #tpu.memory_space<hbm>>
    tpu.enqueue_indirect_dma source(%dma_start3A_47 : memref<10000x128xf32, #tpu.memory_space<hbm>>) target(%arg8 : memref<128x128xf32, #tpu.memory_space<vmem>>) offsets(%dma_start3A_44 : memref<128xi32, #tpu.memory_space<vmem>>) semaphore(%arg11 : memref<!tpu.dma_semaphore, #tpu.memory_space<semaphore_mem>>)
    %dma_start3A_48 = arith.constant 1 : i32
    %dma_start3A_49 = arith.constant 0 : i32
    %dma_start3A_50 = tpu.memref_slice %arg6[%dma_start3A_48, %dma_start3A_49] : memref<40x128xi32, #tpu.memory_space<vmem>> -> memref<1x128xi32, #tpu.memory_space<vmem>>
    %dma_start3A_51 = tpu.memref_squeeze %dma_start3A_50 : memref<1x128xi32, #tpu.memory_space<vmem>> -> memref<128xi32, #tpu.memory_space<vmem>>
    %dma_start3A_52 = arith.constant 0 : i32
    %dma_start3A_53 = arith.constant 0 : i32
    %dma_start3A_54 = tpu.memref_slice %arg4[%dma_start3A_52, %dma_start3A_53] : memref<10000x128xf32, #tpu.memory_space<hbm>> -> memref<10000x128xf32, #tpu.memory_space<hbm>>
    tpu.enqueue_indirect_dma source(%dma_start3A_54 : memref<10000x128xf32, #tpu.memory_space<hbm>>) target(%arg9 : memref<128x128xf32, #tpu.memory_space<vmem>>) offsets(%dma_start3A_51 : memref<128xi32, #tpu.memory_space<vmem>>) semaphore(%arg12 : memref<!tpu.dma_semaphore, #tpu.memory_space<semaphore_mem>>)
    %scan3A_55 = arith.constant 0 : i32
    %scan3A_56 = arith.constant 20 : i32
    %scan3A_57 = arith.addi %scan3A_55, %scan3A_56 : i32
    %scan3A_58 = arith.constant 1 : i32
    scf.for %scan3A_78 = %scan3A_55 to %scan3A_57 step %scan3A_58  : i32 {
      %mul3A_79 = arith.constant 2 : i32
      %mul3A_80 = arith.muli %scan3A_78, %mul3A_79 : i32
      %add3A_81 = arith.constant 0 : i32
      %add3A_82 = arith.addi %add3A_81, %mul3A_80 : i32
      %dma_wait3A_83 = arith.constant 0 : i32
      %dma_wait3A_84 = arith.constant 0 : i32
      %dma_wait3A_85 = tpu.memref_slice %arg4[%dma_wait3A_83, %dma_wait3A_84] : memref<10000x128xf32, #tpu.memory_space<hbm>> -> memref<128x128xf32, #tpu.memory_space<hbm>>
      %dma_wait3A_86 = arith.constant 0 : i32
      %dma_wait3A_87 = arith.constant 0 : i32
      %dma_wait3A_88 = tpu.memref_slice %arg4[%dma_wait3A_86, %dma_wait3A_87] : memref<10000x128xf32, #tpu.memory_space<hbm>> -> memref<128x128xf32, #tpu.memory_space<hbm>>
      tpu.wait_dma2 semaphore(%arg11 : memref<!tpu.dma_semaphore, #tpu.memory_space<semaphore_mem>>) src(%dma_wait3A_88 : memref<128x128xf32, #tpu.memory_space<hbm>>) dst(%arg8 : memref<128x128xf32, #tpu.memory_space<vmem>>)
      "tpu.region"() ({
        %run_scoped3A = tpu.sem_alloc : memref<!tpu.dma_semaphore, #tpu.memory_space<semaphore_mem>>
        %dma_start3A_122 = arith.constant 0 : i32
        %dma_start3A_123 = tpu.memref_slice %arg7[%add3A_82, %dma_start3A_122] : memref<40x128xi32, #tpu.memory_space<vmem>> -> memref<1x128xi32, #tpu.memory_space<vmem>>
        %dma_start3A_124 = tpu.memref_squeeze %dma_start3A_123 : memref<1x128xi32, #tpu.memory_space<vmem>> -> memref<128xi32, #tpu.memory_space<vmem>>
        %dma_start3A_125 = arith.constant 0 : i32
        %dma_start3A_126 = arith.constant 0 : i32
        %dma_start3A_127 = tpu.memref_slice %arg10[%dma_start3A_125, %dma_start3A_126] : memref<10240x128xf32, #tpu.memory_space<vmem_shared>> -> memref<10240x128xf32, #tpu.memory_space<vmem_shared>>
        tpu.enqueue_indirect_dma source(%arg8 : memref<128x128xf32, #tpu.memory_space<vmem>>) target(%dma_start3A_127 : memref<10240x128xf32, #tpu.memory_space<vmem_shared>>) offsets(%dma_start3A_124 : memref<128xi32, #tpu.memory_space<vmem>>) semaphore(%run_scoped3A : memref<!tpu.dma_semaphore, #tpu.memory_space<semaphore_mem>>) {add = true}
        %dma_wait3A_128 = arith.constant 0 : i32
        %dma_wait3A_129 = tpu.memref_slice %arg7[%add3A_82, %dma_wait3A_128] : memref<40x128xi32, #tpu.memory_space<vmem>> -> memref<1x128xi32, #tpu.memory_space<vmem>>
        %dma_wait3A_130 = tpu.memref_squeeze %dma_wait3A_129 : memref<1x128xi32, #tpu.memory_space<vmem>> -> memref<128xi32, #tpu.memory_space<vmem>>
        %dma_wait3A_131 = arith.constant 0 : i32
        %dma_wait3A_132 = arith.constant 0 : i32
        %dma_wait3A_133 = tpu.memref_slice %arg10[%dma_wait3A_131, %dma_wait3A_132] : memref<10240x128xf32, #tpu.memory_space<vmem_shared>> -> memref<10240x128xf32, #tpu.memory_space<vmem_shared>>
        tpu.wait_indirect_dma semaphore(%run_scoped3A : memref<!tpu.dma_semaphore, #tpu.memory_space<semaphore_mem>>) src(%arg8 : memref<128x128xf32, #tpu.memory_space<vmem>>) dst(%dma_wait3A_133 : memref<10240x128xf32, #tpu.memory_space<vmem_shared>>)
        tpu.yield
      }) : () -> ()
      %add3A_89 = arith.constant 2 : i32
      %add3A_90 = arith.addi %add3A_82, %add3A_89 : i32
      %lt3A = arith.constant 40 : i32
      %lt3A_91 = arith.cmpi slt, %add3A_90, %lt3A : i32
      %add3A_92 = arith.constant 2 : i32
      %add3A_93 = arith.addi %add3A_82, %add3A_92 : i32
      %jit3A = arith.constant 0 : i32
      %select_n3A = arith.select %lt3A_91, %add3A_93, %jit3A : i32
      %dma_start3A_94 = arith.constant 0 : i32
      %dma_start3A_95 = tpu.memref_slice %arg6[%select_n3A, %dma_start3A_94] : memref<40x128xi32, #tpu.memory_space<vmem>> -> memref<1x128xi32, #tpu.memory_space<vmem>>
      %dma_start3A_96 = tpu.memref_squeeze %dma_start3A_95 : memref<1x128xi32, #tpu.memory_space<vmem>> -> memref<128xi32, #tpu.memory_space<vmem>>
      %dma_start3A_97 = arith.constant 0 : i32
      %dma_start3A_98 = arith.constant 0 : i32
      %dma_start3A_99 = tpu.memref_slice %arg4[%dma_start3A_97, %dma_start3A_98] : memref<10000x128xf32, #tpu.memory_space<hbm>> -> memref<10000x128xf32, #tpu.memory_space<hbm>>
      tpu.enqueue_indirect_dma source(%dma_start3A_99 : memref<10000x128xf32, #tpu.memory_space<hbm>>) target(%arg8 : memref<128x128xf32, #tpu.memory_space<vmem>>) offsets(%dma_start3A_96 : memref<128xi32, #tpu.memory_space<vmem>>) semaphore(%arg11 : memref<!tpu.dma_semaphore, #tpu.memory_space<semaphore_mem>>)
      %dma_wait3A_100 = arith.constant 0 : i32
      %dma_wait3A_101 = arith.constant 0 : i32
      %dma_wait3A_102 = tpu.memref_slice %arg4[%dma_wait3A_100, %dma_wait3A_101] : memref<10000x128xf32, #tpu.memory_space<hbm>> -> memref<128x128xf32, #tpu.memory_space<hbm>>
      %dma_wait3A_103 = arith.constant 0 : i32
      %dma_wait3A_104 = arith.constant 0 : i32
      %dma_wait3A_105 = tpu.memref_slice %arg4[%dma_wait3A_103, %dma_wait3A_104] : memref<10000x128xf32, #tpu.memory_space<hbm>> -> memref<128x128xf32, #tpu.memory_space<hbm>>
      tpu.wait_dma2 semaphore(%arg12 : memref<!tpu.dma_semaphore, #tpu.memory_space<semaphore_mem>>) src(%dma_wait3A_105 : memref<128x128xf32, #tpu.memory_space<hbm>>) dst(%arg9 : memref<128x128xf32, #tpu.memory_space<vmem>>)
      %add3A_106 = arith.constant 1 : i32
      %add3A_107 = arith.addi %add3A_82, %add3A_106 : i32
      "tpu.region"() ({
        %run_scoped3A = tpu.sem_alloc : memref<!tpu.dma_semaphore, #tpu.memory_space<semaphore_mem>>
        %dma_start3A_122 = arith.constant 0 : i32
        %dma_start3A_123 = tpu.memref_slice %arg7[%add3A_107, %dma_start3A_122] : memref<40x128xi32, #tpu.memory_space<vmem>> -> memref<1x128xi32, #tpu.memory_space<vmem>>
        %dma_start3A_124 = tpu.memref_squeeze %dma_start3A_123 : memref<1x128xi32, #tpu.memory_space<vmem>> -> memref<128xi32, #tpu.memory_space<vmem>>
        %dma_start3A_125 = arith.constant 0 : i32
        %dma_start3A_126 = arith.constant 0 : i32
        %dma_start3A_127 = tpu.memref_slice %arg10[%dma_start3A_125, %dma_start3A_126] : memref<10240x128xf32, #tpu.memory_space<vmem_shared>> -> memref<10240x128xf32, #tpu.memory_space<vmem_shared>>
        tpu.enqueue_indirect_dma source(%arg9 : memref<128x128xf32, #tpu.memory_space<vmem>>) target(%dma_start3A_127 : memref<10240x128xf32, #tpu.memory_space<vmem_shared>>) offsets(%dma_start3A_124 : memref<128xi32, #tpu.memory_space<vmem>>) semaphore(%run_scoped3A : memref<!tpu.dma_semaphore, #tpu.memory_space<semaphore_mem>>) {add = true}
        %dma_wait3A_128 = arith.constant 0 : i32
        %dma_wait3A_129 = tpu.memref_slice %arg7[%add3A_107, %dma_wait3A_128] : memref<40x128xi32, #tpu.memory_space<vmem>> -> memref<1x128xi32, #tpu.memory_space<vmem>>
        %dma_wait3A_130 = tpu.memref_squeeze %dma_wait3A_129 : memref<1x128xi32, #tpu.memory_space<vmem>> -> memref<128xi32, #tpu.memory_space<vmem>>
        %dma_wait3A_131 = arith.constant 0 : i32
        %dma_wait3A_132 = arith.constant 0 : i32
        %dma_wait3A_133 = tpu.memref_slice %arg10[%dma_wait3A_131, %dma_wait3A_132] : memref<10240x128xf32, #tpu.memory_space<vmem_shared>> -> memref<10240x128xf32, #tpu.memory_space<vmem_shared>>
        tpu.wait_indirect_dma semaphore(%run_scoped3A : memref<!tpu.dma_semaphore, #tpu.memory_space<semaphore_mem>>) src(%arg9 : memref<128x128xf32, #tpu.memory_space<vmem>>) dst(%dma_wait3A_133 : memref<10240x128xf32, #tpu.memory_space<vmem_shared>>)
        tpu.yield
      }) : () -> ()
      %add3A_108 = arith.constant 3 : i32
      %add3A_109 = arith.addi %add3A_82, %add3A_108 : i32
      %lt3A_110 = arith.constant 40 : i32
      %lt3A_111 = arith.cmpi slt, %add3A_109, %lt3A_110 : i32
      %add3A_112 = arith.constant 3 : i32
      %add3A_113 = arith.addi %add3A_82, %add3A_112 : i32
      %jit3A_114 = arith.constant 0 : i32
      %select_n3A_115 = arith.select %lt3A_111, %add3A_113, %jit3A_114 : i32
      %dma_start3A_116 = arith.constant 0 : i32
      %dma_start3A_117 = tpu.memref_slice %arg6[%select_n3A_115, %dma_start3A_116] : memref<40x128xi32, #tpu.memory_space<vmem>> -> memref<1x128xi32, #tpu.memory_space<vmem>>
      %dma_start3A_118 = tpu.memref_squeeze %dma_start3A_117 : memref<1x128xi32, #tpu.memory_space<vmem>> -> memref<128xi32, #tpu.memory_space<vmem>>
      %dma_start3A_119 = arith.constant 0 : i32
      %dma_start3A_120 = arith.constant 0 : i32
      %dma_start3A_121 = tpu.memref_slice %arg4[%dma_start3A_119, %dma_start3A_120] : memref<10000x128xf32, #tpu.memory_space<hbm>> -> memref<10000x128xf32, #tpu.memory_space<hbm>>
      tpu.enqueue_indirect_dma source(%dma_start3A_121 : memref<10000x128xf32, #tpu.memory_space<hbm>>) target(%arg9 : memref<128x128xf32, #tpu.memory_space<vmem>>) offsets(%dma_start3A_118 : memref<128xi32, #tpu.memory_space<vmem>>) semaphore(%arg12 : memref<!tpu.dma_semaphore, #tpu.memory_space<semaphore_mem>>)
    }
    %scan3A_59 = arith.constant 20 : i32
    %dma_wait3A_60 = arith.constant 0 : i32
    %dma_wait3A_61 = arith.constant 0 : i32
    %dma_wait3A_62 = tpu.memref_slice %arg4[%dma_wait3A_60, %dma_wait3A_61] : memref<10000x128xf32, #tpu.memory_space<hbm>> -> memref<128x128xf32, #tpu.memory_space<hbm>>
    %dma_wait3A_63 = arith.constant 0 : i32
    %dma_wait3A_64 = arith.constant 0 : i32
    %dma_wait3A_65 = tpu.memref_slice %arg4[%dma_wait3A_63, %dma_wait3A_64] : memref<10000x128xf32, #tpu.memory_space<hbm>> -> memref<128x128xf32, #tpu.memory_space<hbm>>
    tpu.wait_dma2 semaphore(%arg11 : memref<!tpu.dma_semaphore, #tpu.memory_space<semaphore_mem>>) src(%dma_wait3A_65 : memref<128x128xf32, #tpu.memory_space<hbm>>) dst(%arg8 : memref<128x128xf32, #tpu.memory_space<vmem>>)
    %dma_wait3A_66 = arith.constant 0 : i32
    %dma_wait3A_67 = arith.constant 0 : i32
    %dma_wait3A_68 = tpu.memref_slice %arg4[%dma_wait3A_66, %dma_wait3A_67] : memref<10000x128xf32, #tpu.memory_space<hbm>> -> memref<128x128xf32, #tpu.memory_space<hbm>>
    %dma_wait3A_69 = arith.constant 0 : i32
    %dma_wait3A_70 = arith.constant 0 : i32
    %dma_wait3A_71 = tpu.memref_slice %arg4[%dma_wait3A_69, %dma_wait3A_70] : memref<10000x128xf32, #tpu.memory_space<hbm>> -> memref<128x128xf32, #tpu.memory_space<hbm>>
    tpu.wait_dma2 semaphore(%arg12 : memref<!tpu.dma_semaphore, #tpu.memory_space<semaphore_mem>>) src(%dma_wait3A_71 : memref<128x128xf32, #tpu.memory_space<hbm>>) dst(%arg9 : memref<128x128xf32, #tpu.memory_space<vmem>>)
    %barrier3A_72 = arith.constant 0 : index
    tpu.barrier barrier_id(%barrier3A_72)
    %scan3A_73 = arith.constant 0 : i32
    %scan3A_74 = arith.constant 5 : i32
    %scan3A_75 = arith.addi %scan3A_73, %scan3A_74 : i32
    %scan3A_76 = arith.constant 1 : i32
    scf.for %scan3A_78 = %scan3A_73 to %scan3A_75 step %scan3A_76  : i32 {
      %mul3A_79 = arith.constant 128 : i32
      %mul3A_80 = arith.muli %scan3A_78, %mul3A_79 : i32
      %add3A_81 = arith.constant 0 : i32
      %add3A_82 = arith.addi %add3A_81, %mul3A_80 : i32
      %add3A_83 = arith.addi %mul3A_2, %add3A_82 : i32
      %add3A_84 = arith.addi %mul3A_2, %add3A_82 : i32
      "tpu.region"() ({
        %run_scoped3A = tpu.sem_alloc : memref<!tpu.dma_semaphore, #tpu.memory_space<semaphore_mem>>
        %dma_start3A_85 = arith.constant 0 : i32
        %dma_start3A_86 = tpu.memref_slice %arg5[%arg0, %add3A_84, %dma_start3A_85] : memref<2x10240x128xf32, #tpu.memory_space<hbm>> -> memref<1x128x128xf32, #tpu.memory_space<hbm>>
        %dma_start3A_87 = tpu.memref_squeeze %dma_start3A_86 : memref<1x128x128xf32, #tpu.memory_space<hbm>> -> memref<128x128xf32, #tpu.memory_space<hbm>>
        %dma_start3A_88 = arith.constant 0 : i32
        %dma_start3A_89 = tpu.memref_slice %arg10[%add3A_83, %dma_start3A_88] : memref<10240x128xf32, #tpu.memory_space<vmem_shared>> -> memref<128x128xf32, #tpu.memory_space<vmem_shared>>
        tpu.enqueue_dma source(%dma_start3A_89 : memref<128x128xf32, #tpu.memory_space<vmem_shared>>) target(%dma_start3A_87 : memref<128x128xf32, #tpu.memory_space<hbm>>) target_semaphore(%run_scoped3A : memref<!tpu.dma_semaphore, #tpu.memory_space<semaphore_mem>>)
        %dma_wait3A_90 = arith.constant 0 : i32
        %dma_wait3A_91 = tpu.memref_slice %arg5[%arg0, %add3A_84, %dma_wait3A_90] : memref<2x10240x128xf32, #tpu.memory_space<hbm>> -> memref<1x128x128xf32, #tpu.memory_space<hbm>>
        %dma_wait3A_92 = tpu.memref_squeeze %dma_wait3A_91 : memref<1x128x128xf32, #tpu.memory_space<hbm>> -> memref<128x128xf32, #tpu.memory_space<hbm>>
        %dma_wait3A_93 = arith.constant 0 : i32
        %dma_wait3A_94 = tpu.memref_slice %arg10[%add3A_83, %dma_wait3A_93] : memref<10240x128xf32, #tpu.memory_space<vmem_shared>> -> memref<128x128xf32, #tpu.memory_space<vmem_shared>>
        tpu.wait_dma2 semaphore(%run_scoped3A : memref<!tpu.dma_semaphore, #tpu.memory_space<semaphore_mem>>) src(%dma_wait3A_94 : memref<128x128xf32, #tpu.memory_space<vmem_shared>>) dst(%dma_wait3A_92 : memref<128x128xf32, #tpu.memory_space<hbm>>)
        tpu.yield
      }) : () -> ()
    }
    %scan3A_77 = arith.constant 5 : i32
    return
  }
}

module attributes {stable_mosaic.version = 14 : i64} {
  func.func @_tc_body1(%arg0: i32, %arg1: memref<400x128xf32, #tpu.memory_space<vmem>>, %arg2: memref<400x128xf32, #tpu.memory_space<vmem>>, %arg3: memref<400x128xf32, #tpu.memory_space<vmem>>, %arg4: memref<400x128xf32, #tpu.memory_space<vmem>>, %arg5: memref<400x128xf32, #tpu.memory_space<vmem>>, %arg6: memref<128x128xf32, #tpu.memory_space<vmem>>, %arg7: memref<1x128xf32, #tpu.memory_space<vmem>>, %arg8: memref<400x128xf32, #tpu.memory_space<vmem>>, %arg9: memref<400x128xf32, #tpu.memory_space<vmem>>) attributes {dimension_semantics = [#tpu.dimension_semantics<arbitrary>], iteration_bounds = array<i64: 25>, scalar_prefetch = 0 : i64, scratch_operands = 0 : i64, tpu.core_type = #tpu.core_type<tc>, window_params = [{transform_indices = @transform_0, window_bounds = array<i64: 400, 128>}, {transform_indices = @transform_1, window_bounds = array<i64: 400, 128>}, {transform_indices = @transform_2, window_bounds = array<i64: 400, 128>}, {transform_indices = @transform_3, window_bounds = array<i64: 400, 128>}, {transform_indices = @transform_4, window_bounds = array<i64: 400, 128>}, {pipeline_mode = #tpu.pipeline_mode<synchronous>, transform_indices = @transform_5, window_bounds = array<i64: 128, 128>}, {pipeline_mode = #tpu.pipeline_mode<synchronous>, transform_indices = @transform_6, window_bounds = array<i64: 1, 128>}, {transform_indices = @transform_7, window_bounds = array<i64: 400, 128>}, {transform_indices = @transform_8, window_bounds = array<i64: 400, 128>}]} {
    %get3A = arith.constant 0 : index
    %get3A_0 = arith.constant 0 : index
    %get3A_1 = vector.load %arg4[%get3A, %get3A_0] : memref<400x128xf32, #tpu.memory_space<vmem>>, vector<400x1xf32>
    %get3A_2 = arith.constant 0 : index
    %get3A_3 = arith.constant 0 : index
    %get3A_4 = vector.load %arg5[%get3A_2, %get3A_3] : memref<400x128xf32, #tpu.memory_space<vmem>>, vector<400x1xf32>
    %add3A = arith.addf %get3A_1, %get3A_4 : vector<400x1xf32>
    %add3A_5 = arith.constant 1.000000e+00 : f32
    %add3A_6 = vector.broadcast %add3A_5 : f32 to vector<400x1xf32>
    %add3A_7 = arith.addf %add3A, %add3A_6 : vector<400x1xf32>
    %div3A = arith.constant 1.000000e+00 : f32
    %div3A_8 = vector.broadcast %div3A : f32 to vector<400x1xf32>
    %div3A_9 = arith.divf %div3A_8, %add3A_7 : vector<400x1xf32>
    %get3A_10 = arith.constant 0 : index
    %get3A_11 = arith.constant 0 : index
    %get3A_12 = vector.load %arg1[%get3A_10, %get3A_11] : memref<400x128xf32, #tpu.memory_space<vmem>>, vector<400x128xf32>
    %get3A_13 = arith.constant 0 : index
    %get3A_14 = arith.constant 0 : index
    %get3A_15 = vector.load %arg2[%get3A_13, %get3A_14] : memref<400x128xf32, #tpu.memory_space<vmem>>, vector<400x128xf32>
    %add3A_16 = arith.addf %get3A_12, %get3A_15 : vector<400x128xf32>
    %get3A_17 = arith.constant 0 : index
    %get3A_18 = arith.constant 0 : index
    %get3A_19 = vector.load %arg3[%get3A_17, %get3A_18] : memref<400x128xf32, #tpu.memory_space<vmem>>, vector<400x128xf32>
    %add3A_20 = arith.addf %add3A_16, %get3A_19 : vector<400x128xf32>
    %mul3A = vector.broadcast %div3A_9 : vector<400x1xf32> to vector<400x128xf32>
    %mul3A_21 = arith.mulf %add3A_20, %mul3A : vector<400x128xf32>
    %get3A_22 = arith.constant 0 : index
    %get3A_23 = arith.constant 0 : index
    %get3A_24 = vector.load %arg6[%get3A_22, %get3A_23] : memref<128x128xf32, #tpu.memory_space<vmem>>, vector<128x128xf32>
    %dot_general3A = arith.constant dense<0.000000e+00> : vector<400x128xf32>
    %dot_general3A_25 = tpu.matmul %mul3A_21, %get3A_24, %dot_general3A {dimension_numbers = #tpu.dot_dimension_numbers<[1], [0], [0], [1], [0, 0, 1, 1], [], []>, transpose_lhs_hint = false} : vector<400x128xf32>, vector<128x128xf32>, vector<400x128xf32> -> vector<400x128xf32>
    %get3A_26 = arith.constant 0 : index
    %get3A_27 = arith.constant 0 : index
    %get3A_28 = vector.load %arg7[%get3A_26, %get3A_27] : memref<1x128xf32, #tpu.memory_space<vmem>>, vector<1x128xf32>
    %add3A_29 = vector.broadcast %get3A_28 : vector<1x128xf32> to vector<400x128xf32>
    %add3A_30 = arith.addf %dot_general3A_25, %add3A_29 : vector<400x128xf32>
    %swap3A = arith.constant 0 : index
    %swap3A_31 = arith.constant 0 : index
    %swap3A_32 = vector.load %arg8[%swap3A, %swap3A_31] : memref<400x128xf32, #tpu.memory_space<vmem>>, vector<400x128xf32>
    tpu.vector_store %arg8[%swap3A, %swap3A_31], %add3A_30 {strides = array<i32>} : memref<400x128xf32, #tpu.memory_space<vmem>>, vector<400x128xf32>,
    %max3A = arith.constant 0.000000e+00 : f32
    %max3A_33 = vector.broadcast %max3A : f32 to vector<400x128xf32>
    %max3A_34 = arith.maximumf %add3A_30, %max3A_33 : vector<400x128xf32>
    %swap3A_35 = arith.constant 0 : index
    %swap3A_36 = arith.constant 0 : index
    %swap3A_37 = vector.load %arg9[%swap3A_35, %swap3A_36] : memref<400x128xf32, #tpu.memory_space<vmem>>, vector<400x128xf32>
    tpu.vector_store %arg9[%swap3A_35, %swap3A_36], %max3A_34 {strides = array<i32>} : memref<400x128xf32, #tpu.memory_space<vmem>>, vector<400x128xf32>,
    return
  }
  func.func @transform_0(%arg0: i32) -> (i32, i32) {
    %c0_i32 = arith.constant 0 : i32
    %c0_i32_0 = arith.constant 0 : i32
    return %arg0, %c0_i32 : i32, i32
  }
  func.func @transform_1(%arg0: i32) -> (i32, i32) {
    %c0_i32 = arith.constant 0 : i32
    %c0_i32_0 = arith.constant 0 : i32
    return %arg0, %c0_i32 : i32, i32
  }
  func.func @transform_2(%arg0: i32) -> (i32, i32) {
    %c0_i32 = arith.constant 0 : i32
    %c0_i32_0 = arith.constant 0 : i32
    return %arg0, %c0_i32 : i32, i32
  }
  func.func @transform_3(%arg0: i32) -> (i32, i32) {
    %c0_i32 = arith.constant 0 : i32
    %c0_i32_0 = arith.constant 0 : i32
    return %arg0, %c0_i32 : i32, i32
  }
  func.func @transform_4(%arg0: i32) -> (i32, i32) {
    %c0_i32 = arith.constant 0 : i32
    %c0_i32_0 = arith.constant 0 : i32
    return %arg0, %c0_i32 : i32, i32
  }
  func.func @transform_5(%arg0: i32) -> (i32, i32) {
    %c0_i32 = arith.constant 0 : i32
    %c0_i32_0 = arith.constant 0 : i32
    %c0_i32_1 = arith.constant 0 : i32
    return %c0_i32, %c0_i32_0 : i32, i32
  }
  func.func @transform_6(%arg0: i32) -> (i32, i32) {
    %c0_i32 = arith.constant 0 : i32
    %c0_i32_0 = arith.constant 0 : i32
    %c0_i32_1 = arith.constant 0 : i32
    return %c0_i32, %c0_i32_0 : i32, i32
  }
  func.func @transform_7(%arg0: i32) -> (i32, i32) {
    %c0_i32 = arith.constant 0 : i32
    %c0_i32_0 = arith.constant 0 : i32
    return %arg0, %c0_i32 : i32, i32
  }
  func.func @transform_8(%arg0: i32) -> (i32, i32) {
    %c0_i32 = arith.constant 0 : i32
    %c0_i32_0 = arith.constant 0 : i32
    return %arg0, %c0_i32 : i32, i32
  }
}

module attributes {stable_mosaic.version = 14 : i64} {
  func.func @_tc_body2(%arg0: i32, %arg1: memref<400x128xf32, #tpu.memory_space<vmem>>, %arg2: memref<400x128xf32, #tpu.memory_space<vmem>>, %arg3: memref<400x128xf32, #tpu.memory_space<vmem>>, %arg4: memref<400x128xf32, #tpu.memory_space<vmem>>, %arg5: memref<400x128xf32, #tpu.memory_space<vmem>>, %arg6: memref<128x128xf32, #tpu.memory_space<vmem>>, %arg7: memref<1x128xf32, #tpu.memory_space<vmem>>, %arg8: memref<400x128xf32, #tpu.memory_space<vmem>>) attributes {dimension_semantics = [#tpu.dimension_semantics<arbitrary>], iteration_bounds = array<i64: 25>, scalar_prefetch = 0 : i64, scratch_operands = 0 : i64, tpu.core_type = #tpu.core_type<tc>, window_params = [{transform_indices = @transform_0, window_bounds = array<i64: 400, 128>}, {transform_indices = @transform_1, window_bounds = array<i64: 400, 128>}, {transform_indices = @transform_2, window_bounds = array<i64: 400, 128>}, {transform_indices = @transform_3, window_bounds = array<i64: 400, 128>}, {transform_indices = @transform_4, window_bounds = array<i64: 400, 128>}, {pipeline_mode = #tpu.pipeline_mode<synchronous>, transform_indices = @transform_5, window_bounds = array<i64: 128, 128>}, {pipeline_mode = #tpu.pipeline_mode<synchronous>, transform_indices = @transform_6, window_bounds = array<i64: 1, 128>}, {transform_indices = @transform_7, window_bounds = array<i64: 400, 128>}]} {
    %get3A = arith.constant 0 : index
    %get3A_0 = arith.constant 0 : index
    %get3A_1 = vector.load %arg4[%get3A, %get3A_0] : memref<400x128xf32, #tpu.memory_space<vmem>>, vector<400x1xf32>
    %get3A_2 = arith.constant 0 : index
    %get3A_3 = arith.constant 0 : index
    %get3A_4 = vector.load %arg5[%get3A_2, %get3A_3] : memref<400x128xf32, #tpu.memory_space<vmem>>, vector<400x1xf32>
    %add3A = arith.addf %get3A_1, %get3A_4 : vector<400x1xf32>
    %add3A_5 = arith.constant 1.000000e+00 : f32
    %add3A_6 = vector.broadcast %add3A_5 : f32 to vector<400x1xf32>
    %add3A_7 = arith.addf %add3A, %add3A_6 : vector<400x1xf32>
    %div3A = arith.constant 1.000000e+00 : f32
    %div3A_8 = vector.broadcast %div3A : f32 to vector<400x1xf32>
    %div3A_9 = arith.divf %div3A_8, %add3A_7 : vector<400x1xf32>
    %get3A_10 = arith.constant 0 : index
    %get3A_11 = arith.constant 0 : index
    %get3A_12 = vector.load %arg1[%get3A_10, %get3A_11] : memref<400x128xf32, #tpu.memory_space<vmem>>, vector<400x128xf32>
    %get3A_13 = arith.constant 0 : index
    %get3A_14 = arith.constant 0 : index
    %get3A_15 = vector.load %arg2[%get3A_13, %get3A_14] : memref<400x128xf32, #tpu.memory_space<vmem>>, vector<400x128xf32>
    %add3A_16 = arith.addf %get3A_12, %get3A_15 : vector<400x128xf32>
    %get3A_17 = arith.constant 0 : index
    %get3A_18 = arith.constant 0 : index
    %get3A_19 = vector.load %arg3[%get3A_17, %get3A_18] : memref<400x128xf32, #tpu.memory_space<vmem>>, vector<400x128xf32>
    %add3A_20 = arith.addf %add3A_16, %get3A_19 : vector<400x128xf32>
    %mul3A = vector.broadcast %div3A_9 : vector<400x1xf32> to vector<400x128xf32>
    %mul3A_21 = arith.mulf %add3A_20, %mul3A : vector<400x128xf32>
    %get3A_22 = arith.constant 0 : index
    %get3A_23 = arith.constant 0 : index
    %get3A_24 = vector.load %arg6[%get3A_22, %get3A_23] : memref<128x128xf32, #tpu.memory_space<vmem>>, vector<128x128xf32>
    %dot_general3A = arith.constant dense<0.000000e+00> : vector<400x128xf32>
    %dot_general3A_25 = tpu.matmul %mul3A_21, %get3A_24, %dot_general3A {dimension_numbers = #tpu.dot_dimension_numbers<[1], [0], [0], [1], [0, 0, 1, 1], [], []>, transpose_lhs_hint = false} : vector<400x128xf32>, vector<128x128xf32>, vector<400x128xf32> -> vector<400x128xf32>
    %get3A_26 = arith.constant 0 : index
    %get3A_27 = arith.constant 0 : index
    %get3A_28 = vector.load %arg7[%get3A_26, %get3A_27] : memref<1x128xf32, #tpu.memory_space<vmem>>, vector<1x128xf32>
    %add3A_29 = vector.broadcast %get3A_28 : vector<1x128xf32> to vector<400x128xf32>
    %add3A_30 = arith.addf %dot_general3A_25, %add3A_29 : vector<400x128xf32>
    %swap3A = arith.constant 0 : index
    %swap3A_31 = arith.constant 0 : index
    %swap3A_32 = vector.load %arg8[%swap3A, %swap3A_31] : memref<400x128xf32, #tpu.memory_space<vmem>>, vector<400x128xf32>
    tpu.vector_store %arg8[%swap3A, %swap3A_31], %add3A_30 {strides = array<i32>} : memref<400x128xf32, #tpu.memory_space<vmem>>, vector<400x128xf32>,
    return
  }
  func.func @transform_0(%arg0: i32) -> (i32, i32) {
    %c0_i32 = arith.constant 0 : i32
    %c0_i32_0 = arith.constant 0 : i32
    return %arg0, %c0_i32 : i32, i32
  }
  func.func @transform_1(%arg0: i32) -> (i32, i32) {
    %c0_i32 = arith.constant 0 : i32
    %c0_i32_0 = arith.constant 0 : i32
    return %arg0, %c0_i32 : i32, i32
  }
  func.func @transform_2(%arg0: i32) -> (i32, i32) {
    %c0_i32 = arith.constant 0 : i32
    %c0_i32_0 = arith.constant 0 : i32
    return %arg0, %c0_i32 : i32, i32
  }
  func.func @transform_3(%arg0: i32) -> (i32, i32) {
    %c0_i32 = arith.constant 0 : i32
    %c0_i32_0 = arith.constant 0 : i32
    return %arg0, %c0_i32 : i32, i32
  }
  func.func @transform_4(%arg0: i32) -> (i32, i32) {
    %c0_i32 = arith.constant 0 : i32
    %c0_i32_0 = arith.constant 0 : i32
    return %arg0, %c0_i32 : i32, i32
  }
  func.func @transform_5(%arg0: i32) -> (i32, i32) {
    %c0_i32 = arith.constant 0 : i32
    %c0_i32_0 = arith.constant 0 : i32
    %c0_i32_1 = arith.constant 0 : i32
    return %c0_i32, %c0_i32_0 : i32, i32
  }
  func.func @transform_6(%arg0: i32) -> (i32, i32) {
    %c0_i32 = arith.constant 0 : i32
    %c0_i32_0 = arith.constant 0 : i32
    %c0_i32_1 = arith.constant 0 : i32
    return %c0_i32, %c0_i32_0 : i32, i32
  }
  func.func @transform_7(%arg0: i32) -> (i32, i32) {
    %c0_i32 = arith.constant 0 : i32
    %c0_i32_0 = arith.constant 0 : i32
    return %arg0, %c0_i32 : i32, i32
  }
}

</mosaic_0001>

<sc_bundles>
// kernel: kernel.10.cloned.1.call-start
scs
__scs_entry_jumppad:
0x0: {  	(pc) =	sbr.rel $0x88, $3  }
0x1: {  	(tag) =	ssettag $0x0;
	lr =	simm.s32 $0x1  }
0x2: {  	[smem:$0x3F9B] =	sst lr;
	_ =	strace $0xD0000000  }
0x3: {  	_ = 	snop  }
0x4: {  	_ = 	snop  }
0x5: {  	_ = 	snop  }
0x6: {  	_ = 	snop  }
0x7: {  	_ = 	snop  }
__scs_overlays_trampoline_lowered:
0x8: {  	[smem:$0x3FAA] =	sst s0  }
0x9: {  	[smem:$0x3FAB] =	sst s1  }
0xa: {  	[smem:$0x3FAC] =	sst s2  }
0xb: {  	[smem:$0x3FAD] =	sst s3  }
0xc: {  	[smem:$0x3FAE] =	sst s4  }
0xd: {  	[smem:$0x3FAF] =	sst s5  }
0xe: {  	[smem:$0x3FB0] =	sst s6  }
0xf: {  	[smem:$0x3FB1] =	sst s7  }
0x10: {  	[smem:$0x3FB2] =	sst s8  }
0x11: {  	[smem:$0x3FB3] =	sst s9;
	s0 =	simm.s32 @!p0 $0x0  }
0x12: {  	s1 =	sld [smem:$0x3F99];
	s0 =	simm.s32 @p0 $0x1  }
0x13: {  	[smem:$0x3FB4] =	sst s0;
	s0 =	simm.s32 @!p1 $0x0  }
0x14: {  	s2 =	sld [smem:$0x3F98];
	s0 =	simm.s32 @p1 $0x1  }
0x15: {  	[smem:$0x3FB5] =	sst s0;
	s0 =	simm.s32 @!p2 $0x0  }
0x16: {  	s3 =	sld [smem:$0x3FDB];
	s0 =	simm.s32 @p2 $0x1  }
0x17: {  	s4 =	simm.s32 $0x1BF5;
	[smem:$0x3FB7] =	sst s0  }
0x18: {  	s0 =	sld [smem:$0x3F9A];
	_ =	swait.ge [sflag:s4], $0x0  }
0x19: {  	s7 =	sld [smem:$0x3F9B]  }
0x1a: {  	s8 =	sadd.s32 $0xFFFFE003, lr  }
0x1b: {  	s9 =	sadd.s32 $0xFFFFFEF7, lr;
	s5 =	simm.s32 $0xFFFFFFFF;
	p2 =	slt.u32 s8, $0xFFFFF086  }
0x1c: {  	p1 =	slt.u32 s9, $0xF7A;
	s5 =	simm.s32 @!p2 $0x0  }
0x1d: {  	s5 =	simm.s32 @p1 $0x1;
	p0 =	seq.s32 s7, s2  }
0x1e: {  	s7 =	smul.u32 @!p0 $0xF7A, s2;
	p2 =	seq.s32 @!p0 s5, $0x0  }
0x1f: {  	s9 =	smul.u32 $0xF7A, s1;
	s8 =	simm.s32 @!p0 $0x1BF5;
	p2 =	por !p2, p0  }
0x20: {  	[sflag:s8] =	ssyncset.s32 @!p0 $0xFFFFF086;
	s6 =	sadd.s32 @!p0 s3, s7;
	s7 =	simm.s32 @!p0 $0x108  }
0x21: {  	s3 =	sadd.s32 s3, s9;
	s6 =	sadd.s32 @!p0 $0x88, s6;
	s7 =	simm.s32 @p2 $0x1082  }
0x22: {  	[simem:s7], [sflag:s8] =	dma.local @!p0 [hbm:s6], $0xF7A  }
0x23: {  	s9 =	sor.u32 $0xD0000000, s2;
	s6 =	simm.s32 $0x108;
	_ =	swait.ge @!p0 [sflag:s8], $0x0  }
0x24: {  	s3 =	sadd.s32 $0x88, s3;
	s6 =	simm.s32 @!p1 $0x1082;
	[sflag:s4] =	ssyncset.s32 $0xFFFFF086  }
0x25: {  	[simem:s6], [sflag:s4] =	dma.local [hbm:s3], $0xF7A  }
0x26: {  	[smem:$0x3F9B] =	sst s1;
	(tag) =	ssettag s2;
	_ =	strace s9  }
0x27: {  	s1 =	sld [smem:$0x3FAB]  }
0x28: {  	s2 =	sld [smem:$0x3FAC]  }
0x29: {  	s4 =	sld [smem:$0x3FAE]  }
0x2a: {  	p0 =	seq.s32 s5, $0x0;
	s5 =	sld [smem:$0x3FAF]  }
0x2b: {  	s6 =	sld [smem:$0x3FB0]  }
0x2c: {  	s7 =	sld [smem:$0x3FB1]  }
0x2d: {  	s3 =	simm.s32 $0x108;
	s8 =	sld [smem:$0x3FB2]  }
0x2e: {  	s3 =	simm.s32 @!p0 $0x1082;
	s9 =	sld [smem:$0x3FB3]  }
0x2f: {  	lr =	sadd.s32 s0, s3;
	s0 =	sld [smem:$0x3FAA]  }
0x30: {  	s3 =	sld [smem:$0x3FAD]  }
0x31: {  	[smem:$0x3FB6] =	sst s10  }
0x32: {  	s10 =	sld [smem:$0x3FB4];
	_ =	sdelay $0x3  }
0x33: {  	p0 =	seq.s32 s10, $0x1;
	s10 =	sld [smem:$0x3FB6];
	_ =	sdelay $0x3  }
0x34: {  	[smem:$0x3FB6] =	sst s10  }
0x35: {  	s10 =	sld [smem:$0x3FB5];
	_ =	sdelay $0x3  }
0x36: {  	p1 =	seq.s32 s10, $0x1;
	s10 =	sld [smem:$0x3FB6];
	_ =	sdelay $0x3  }
0x37: {  	[smem:$0x3FB6] =	sst s10  }
0x38: {  	s10 =	sld [smem:$0x3FB7]  }
0x39: {  	_ = 	snop;
	(pc) =	sbr.ind lr, $3  }
0x3a: {  	_ = 	snop  }
0x3b: {  	_ = 	snop  }
0x3c: {  	p2 =	seq.s32 s10, $0x1;
	s10 =	sld [smem:$0x3FB6]  }
0x3d: {  	_ =	shalt  }
0x3e: {  	_ =	shalt  }
0x3f: {  	_ =	shalt  }
0x40: {  	_ =	shalt  }
0x41: {  	_ =	shalt  }
0x42: {  	_ =	shalt  }
0x43: {  	_ =	shalt  }
0x44: {  	_ =	shalt  }
0x45: {  	_ =	shalt  }
0x46: {  	_ =	shalt  }
0x47: {  	_ =	shalt  }
0x48: {  	_ =	shalt  }
0x49: {  	_ =	shalt  }
0x4a: {  	_ =	shalt  }
0x4b: {  	_ =	shalt  }
0x4c: {  	_ =	shalt  }
0x4d: {  	_ =	shalt  }
0x4e: {  	_ =	shalt  }
0x4f: {  	_ =	shalt  }
0x50: {  	_ =	shalt  }
0x51: {  	_ =	shalt  }
0x52: {  	_ =	shalt  }
0x53: {  	_ =	shalt  }
0x54: {  	_ =	shalt  }
0x55: {  	_ =	shalt  }
0x56: {  	_ =	shalt  }
0x57: {  	_ =	shalt  }
0x58: {  	_ =	shalt  }
0x59: {  	_ =	shalt  }
0x5a: {  	_ =	shalt  }
0x5b: {  	_ =	shalt  }
0x5c: {  	_ =	shalt  }
0x5d: {  	_ =	shalt  }
0x5e: {  	_ =	shalt  }
0x5f: {  	_ =	shalt  }
0x60: {  	_ =	shalt  }
0x61: {  	_ =	shalt  }
0x62: {  	_ =	shalt  }
0x63: {  	_ =	shalt  }
0x64: {  	_ =	shalt  }
0x65: {  	_ =	shalt  }
0x66: {  	_ =	shalt  }
0x67: {  	_ =	shalt  }
0x68: {  	_ =	shalt  }
0x69: {  	_ =	shalt  }
0x6a: {  	_ =	shalt  }
0x6b: {  	_ =	shalt  }
0x6c: {  	_ =	shalt  }
0x6d: {  	_ =	shalt  }
0x6e: {  	_ =	shalt  }
0x6f: {  	_ =	shalt  }
0x70: {  	_ =	shalt  }
0x71: {  	_ =	shalt  }
0x72: {  	_ =	shalt  }
0x73: {  	_ =	shalt  }
0x74: {  	_ =	shalt  }
0x75: {  	_ =	shalt  }
0x76: {  	_ =	shalt  }
0x77: {  	_ =	shalt  }
0x78: {  	_ =	shalt  }
0x79: {  	_ =	shalt  }
0x7a: {  	_ =	shalt  }
0x7b: {  	_ =	shalt  }
0x7c: {  	_ =	shalt  }
0x7d: {  	_ =	shalt  }
0x7e: {  	_ =	shalt  }
0x7f: {  	_ =	shalt  }
0x80: {  	_ =	shalt  }
0x81: {  	_ =	shalt  }
0x82: {  	_ =	shalt  }
0x83: {  	_ =	shalt  }
0x84: {  	_ =	shalt  }
0x85: {  	_ =	shalt  }
0x86: {  	_ =	shalt  }
0x87: {  	_ =	shalt  }
.Lfunc_end0:
.L_simem_size_0:
called_computation.1_lowered:
.L_overlay_start_0:
0x88: {  	s2 =	sld [smem:$0x3FD9]  }
0x89: {  	s3 =	sld [smem:$0x3FFE];
	_ =	sdelay $0x1  }
0x8a: {  	s1 =	srdreg.scid  }
0x8b: {  	s0 =	sand.u32 $0x1, s1  }
0x8c: {  	s17 =	sshll.u32 s0, $0xA;
	s2 =	sadd.s32 s3, s2  }
0x8d: {  	s2 =	sadd.s32 s2, s17  }
0x8e: {  	[smem:$0x3FC2] =	sst s2  }
0x8f: {  	_ = 	snop  }
0x90: {  	s2 =	sld [smem:$0x3FC9];
	(tm) =	ssettm $0x1  }
0x91: {  	s18 =	sld [smem:$0x3FFB];
	_ =	sdelay $0x3  }
0x92: {  	_ =	strace s18  }
0x93: {  	s3 =	sld [smem:$0x3FFC];
	_ =	sdelay $0x3  }
0x94: {  	_ =	strace s3  }
0x95: {  	s3 =	sld [smem:$0x3FFD];
	_ =	sdelay $0x3  }
0x96: {  	_ =	strace s3  }
0x97: {  	_ =	strace $0x8FFFFFFF  }
0x98: {  	s19 =	sld [smem:$0x3FDB];
	_ =	sdelay $0x1  }
0x99: {  	s4 =	simm.s32 $_scs_section_size  }
0x9a: {  	s5 =	simm.s32 $_size__tile_overlayer_lowered;
	s6 =	simm.s32 $_tile_overlayer_lowered  }
0x9b: {  	s22 =	simm.s32 $0x1BFF;
	s21 =	sshll.u32 s6, $0x1;
	s3 =	sadd.s32 s4, s19  }
0x9c: {  	s7 =	simm.s32 $0x0;
	s20 =	sshll.u32 s5, $0x1;
	s5 =	sadd.s32 s21, s3  }
0x9d: {  	[timem:s7], [sflag:s22] =	dma.local [hbm:s5], s20  }
0x9e: {  	_ =	swait.ge [sflag:s22], s20  }
0x9f: {  	s4 =	ssub.s32 $0x0, s20;
	[sflag:s22] =	ssyncset.done $0x0  }
0xa0: {  	[sflag:s22] =	ssyncadd.s32 s4;
	_ =	sdelay $0x1  }
0xa1: {  	s23 =	simm.s32 $0x1B8B  }
0xa2: {  	_ =	swait.ge [sflag:s23], $0x1  }
0xa3: {  	[sflag:s23] =	ssyncset.done $0x0  }
0xa4: {  	s25 =	simm.s32 $0x1B8E;
	s24 =	sld [smem:$0x3FFE];
	[sflag:s23] =	ssyncadd.s32 $0xFFFFFFFF  }
0xa5: {  	s26 =	simm.s32 $execute0_lowered;
	[smem:$0x3FD2] =	sst s25  }
0xa6: {  	s5 =	sshll.u32 s26, $0x1;
	_ =	strace $0x80000046;
	[dreg:$0x1] =	wrdreg $0xFFFFFFFF  }
0xa7: {  	s28 =	simm.s32 $_size_execute0_lowered;
	s3 =	sadd.s32 s3, s5;
	[dreg:$0x0] =	wrdreg $0x0  }
0xa8: {  	s5 =	sshll.u32 s28, $0x1;
	[dreg:$0x2] =	wrdreg s3  }
0xa9: {  	[dreg:$0x3] =	wrdreg s5  }
0xaa: {  	[dreg:$0x4] =	wrdreg $0xC0  }
0xab: {  	_ =	task [dreg:s7], $0x5FFFF  }
0xac: {  	[dreg:$0x1] =	wrdreg $0xFFFFFFFF  }
0xad: {  	[dreg:$0x0] =	wrdreg $0x60  }
0xae: {  	[dreg:$0x2] =	wrdreg s24  }
0xaf: {  	[dreg:$0x3] =	wrdreg s2  }
0xb0: {  	[dreg:$0x4] =	wrdreg $0xA8000  }
0xb1: {  	[dreg:$0x5] =	wrdreg $0xA  }
0xb2: {  	_ =	task.clear_ibuf [dreg:s7], $0x6FFFF;
	_ =	strace $0x90000046  }
0xb3: {  	s29 =	simm.s32 $0xA;
	_ =	strace $0x80000048  }
0xb4: {  	_ =	swait.ge [sflag:s29], $0x1  }
0xb5: {  	[sflag:s29] =	ssyncadd.s32 $0xFFFFFFFF  }
0xb6: {  	_ =	strace $0x90000048  }
0xb7: {  	_ =	sfence  }
0xb8: {  	s30 =	sld [smem:$0x0];
	_ =	sdelay $0x2  }
0xb9: {  	s31 =	sshll.u32 s1, $0xD;
	s1 =	sshrl.u32 s1, $0x2  }
0xba: {  	s3 =	sand.u32 $0x4000, s31;
	s1 =	sadd.s32 s1, s30  }
0xbb: {  	s0 =	sor.u32 s3, s0;
	s1 =	sshll.u32 s1, $0x11  }
0xbc: {  	s0 =	sor.u32 s1, s0  }
0xbd: {  	s0 =	sadd.s32 $0x8F2B, s0  }
0xbe: {  	[sflag:s0] =	ssyncadd.remote.s32 $0x1  }
0xbf: {  	_ =	sfence.sel $0xFFFF  }
0xc0: {  	[dreg:$0x0] =	wrdreg $0xFFFFFFFF;
	(pc) =	sbr.abs _section_cstart, $3  }
0xc1: {  	[dreg:$0x1] =	wrdreg $0xFFFFFFFF  }
0xc2: {  	_ =	task.clear_ibuf [dreg:s7], $0x2FFFF;
	_ =	strace $0x9FFFFFFF  }
0xc3: {  	(tm) =	ssettm $0x7FFFFFFF  }
tec
execute0_lowered:
.L_overlay_start_1:
0x0: {  	(tag) =	ssettag $0x1  }
0x1: {  	s0 =	rddreg [dreg:$0x0]  }
0x2: {  	s2 =	rddreg [dreg:$0x1]  }
0x3: {  	s3 =	rddreg [dreg:$0x2]  }
0x4: {  	s1 =	srdreg.scid;
	s10 =	stileid.u32  }
0x5: {  	s5 =	simm.s32 $0x0;
	s28 =	simm.s32 $0x80;
	s29 =	simm.s32 $0x6800  }
0x6: {  	s30 =	simm.s32 $0x1;
	s31 =	simm.s32 $0x2;
	s1 =	sand.u32 $0x1, s1  }
0x7: {  	s4 =	sshll.u32 s10, $0x1;
	[smem:$0x7FF] =	sst s5;
	s14 =	smul.u32 $0x50000, s10  }
0x8: {  	s6 =	sadd.s32 $0x3000, s0;
	s7 =	sadd.s32 $0xD000, s0;
	s17 =	smul.u32 $0x14000, s10  }
0x9: {  	s4 =	sor.u32 s1, s4;
	s8 =	ssub.s32 $0x2, s1;
	s1 =	smul.u32 $0x140000, s1  }
0xa: {  	s0 =	sadd.s32 $0x17000, s0;
	_ =	strace $0x80000047;
	s4 =	smul.u32 $0x2800, s4  }
0xb: {  	s9 =	sshrl.u32 s8, $0x1;
	s5 =	sshrl.u32 s14, $0x2;
	s20 =	sadd.s32 $0x4000, s17  }
0xc: {  	s22 =	sadd.s32 $0x8000, s17;
	s11 =	ssub.s32 s8, s9;
	s5 =	sadd.s32 s5, s3  }
0xd: {  	s16 =	sadd.s32 s1, s17;
	s21 =	sadd.s32 s1, s20;
	s23 =	sadd.s32 s1, s22  }
0xe: {  	s4 =	sshrl.u32 s4, $0x3;
	s19 =	sshrl.u32 s16, $0x3;
	s11 =	smax.u32 s11, $0x1  }
0xf: {  	s12 =	sadd.s32 $0x4000, s5;
	s13 =	sadd.s32 $0x8000, s5;
	s14 =	sadd.s32 $0xC000, s5  }
0x10: {  	s15 =	sadd.s32 s6, s4;
	s18 =	sadd.s32 s7, s4;
	s4 =	sadd.s32 $0x280, s4  }
0x11: {  	s10 =	sadd.s32 s0, s19;
	s19 =	sadd.s32 $0xC000, s17;
	[dreg:$0x4] =	wrdreg s15  }
0x12: {  	[dreg:$0x5] =	wrdreg s18;
	s6 =	sadd.s32 s6, s4;
	s9 =	sadd.s32 s7, s4  }
0x13: {  	s15 =	sadd.s32 $0x10000, s5;
	s4 =	sadd.s32 s20, s3;
	s20 =	sadd.s32 $0x10000, s17  }
0x14: {  	s24 =	sadd.s32 s1, s19;
	s7 =	sadd.s32 s22, s3;
	s25 =	sadd.s32 s19, s3  }
0x15: {  	[dreg:$0x6] =	wrdreg s6;
	s6 =	sshrl.u32 s21, $0x3;
	s1 =	sadd.s32 s1, s20  }
0x16: {  	s26 =	sadd.s32 s20, s3;
	s20 =	simm.s32 $0x2800;
	s21 =	simm.s32 $0x3  }
0x17: {  	s22 =	sshrl.u32 s4, $0x3;
	s4 =	simm.s32 $0x0;
	s16 =	sadd.s32 s0, s6  }
0x18: {  	s6 =	sshrl.u32 s23, $0x3;
	s1 =	sshrl.u32 s1, $0x3;
	s23 =	sshrl.u32 s7, $0x3  }
0x19: {  	s17 =	sadd.s32 s0, s6;
	s6 =	sshrl.u32 s24, $0x3;
	s19 =	sadd.s32 s0, s1  }
0x1a: {  	s24 =	sshrl.u32 s25, $0x3;
	s25 =	sshrl.u32 s26, $0x3;
	s26 =	simm.s32 $0x1400  }
0x1b: {  	v0 =	vimm.f32 $0.0e+00;
	s1 =	simm.s32 $0x2780;
	s18 =	sadd.s32 s0, s6;
	s0 =	simm.s32 $0x2700  }
.LBB2_1:
0x1c: {  	s6 =	simm.s32 $0x0;
	s7 =	simm.s32 $0x200  }
.LBB2_2:
0x1d: {  	p0 =	sne.s32 s7, $0xFE00;
	[tilespmem:s6+$0x2870] =	vst v0  }
0x1e: {  	[tilespmem:s6+$0x2800] =	vst v0  }
0x1f: {  	[tilespmem:s6+$0x2810] =	vst v0  }
.Ltmp0:
0x20: {  	[tilespmem:s6+$0x2820] =	vst v0;
	(pc) =	sbr.rel @p0 .LBB2_2-.Ltmp0, $4  }
0x21: {  	[tilespmem:s6+$0x2830] =	vst v0  }
0x22: {  	[tilespmem:s6+$0x2840] =	vst v0  }
0x23: {  	[tilespmem:s6+$0x2850] =	vst v0  }
0x24: {  	[tilespmem:s6+$0x2860] =	vst v0;
	s6 =	sshra.s32 s7, $0x2;
	s7 =	sadd.s32 $0x200, s7  }
0x25: {  	[tilespmem:s6+$0x2870] =	vst v0  }
0x26: {  	[tilespmem:s6+$0x2800] =	vst v0  }
0x27: {  	[tilespmem:s6+$0x2810] =	vst v0  }
0x28: {  	[tilespmem:s6+$0x2820] =	vst v0  }
0x29: {  	[tilespmem:s6+$0x2830] =	vst v0  }
0x2a: {  	[tilespmem:s6+$0x2840] =	vst v0  }
0x2b: {  	[tilespmem:s6+$0x2850] =	vst v0  }
0x2c: {  	[tilespmem:s6+$0x2860] =	vst v0  }
0x2d: {  	[spmem:s5] =	stream.linear.scatter [tilespmem:s20], [sflag:$0x3], $0x4000, $0x38;
	[tilespmem:$0x1E800] =	vst v63  }
0x2e: {  	_ =	swait.ge [sflag:s21], $0x4000  }
0x2f: {  	[sflag:s21] =	ssyncset.done $0x0  }
0x30: {  	[sflag:s21] =	ssyncadd.s32 $0xFFFFC000  }
0x31: {  	[spmem:s12] =	stream.linear.scatter [tilespmem:s20], [sflag:$0x3], $0x4000, $0x38;
	[tilespmem:$0x1E800] =	vst v63  }
0x32: {  	_ =	swait.ge [sflag:s21], $0x4000  }
0x33: {  	[sflag:s21] =	ssyncset.done $0x0  }
0x34: {  	[sflag:s21] =	ssyncadd.s32 $0xFFFFC000  }
0x35: {  	[spmem:s13] =	stream.linear.scatter [tilespmem:s20], [sflag:$0x3], $0x4000, $0x38;
	[tilespmem:$0x1E800] =	vst v63  }
0x36: {  	_ =	swait.ge [sflag:s21], $0x4000  }
0x37: {  	[sflag:s21] =	ssyncset.done $0x0  }
0x38: {  	[sflag:s21] =	ssyncadd.s32 $0xFFFFC000  }
0x39: {  	[spmem:s14] =	stream.linear.scatter [tilespmem:s20], [sflag:$0x3], $0x4000, $0x38;
	[tilespmem:$0x1E800] =	vst v63  }
0x3a: {  	_ =	swait.ge [sflag:s21], $0x4000  }
0x3b: {  	[sflag:s21] =	ssyncset.done $0x0  }
0x3c: {  	[sflag:s21] =	ssyncadd.s32 $0xFFFFC000  }
0x3d: {  	[spmem:s15] =	stream.linear.scatter [tilespmem:s20], [sflag:$0x3], $0x4000, $0x38;
	[tilespmem:$0x1E800] =	vst v63  }
0x3e: {  	_ =	swait.ge [sflag:s21], $0x4000  }
0x3f: {  	[sflag:s21] =	ssyncset.done $0x0  }
0x40: {  	[sflag:s21] =	ssyncadd.s32 $0xFFFFC000  }
0x41: {  	[bflag:$0x0] =	sbarrier.arrive $0xFFFF  }
0x42: {  	s6 =	simm.s32 $0x0;
	s7 =	rddreg [dreg:$0x4]  }
0x43: {  	[tilespmem:s6], [sflag:$0x3] =	stream.linear.gather [hbm4b:s7+s6], $0x1400, $0x38;
	[tilespmem:$0x1E800] =	vst v63  }
0x44: {  	_ =	swait.ge [sflag:s21], $0x1400  }
0x45: {  	[sflag:s21] =	ssyncset.done $0x0  }
0x46: {  	s8 =	rddreg [dreg:$0x5];
	[sflag:s21] =	ssyncadd.s32 $0xFFFFEC00  }
0x47: {  	[tilespmem:s26], [sflag:$0x3] =	stream.linear.gather [hbm4b:s8+s6], $0x1400, $0x38;
	[tilespmem:$0x1E800] =	vst v63  }
0x48: {  	_ =	swait.ge [sflag:s21], $0x1400  }
0x49: {  	[sflag:s21] =	ssyncset.done $0x0  }
0x4a: {  	[sflag:s21] =	ssyncadd.s32 $0xFFFFEC00  }
0x4b: {  	[tilespmem:s20], [sflag:$0x1] =	stream.indirect.gather [hbm4b:s2+s28], $0x80, s6, s28, $0xb8;
	[tilespmem:$0x1E800] =	vst v63  }
0x4c: {  	_ = 	snop  }
0x4d: {  	[tilespmem:s29], [sflag:$0x2] =	stream.indirect.gather [hbm4b:s2+s28], $0x80, s28, s28, $0xb8;
	[tilespmem:$0x1E800] =	vst v63  }
0x4e: {  	_ =	swait.ge [sflag:s30], $0x4000  }
0x4f: {  	[sflag:s30] =	ssyncset.done $0x0  }
0x50: {  	s8 =	simm.s32 $0x1400;
	[sflag:s30] =	ssyncadd.s32 $0xFFFFC000  }
0x51: {  	[spmem:s3] =	stream.indirect.scatter.add.f32 [tilespmem:s20], [sflag:$0x3], $0x80, s8, s28, $0xb8;
	[tilespmem:$0x1E800] =	vst v63  }
0x52: {  	_ =	swait.ge [sflag:s21], $0x4000  }
0x53: {  	[sflag:s21] =	ssyncset.done $0x0  }
0x54: {  	s7 =	simm.s32 $0x100;
	[sflag:s21] =	ssyncadd.s32 $0xFFFFC000  }
0x55: {  	[tilespmem:s20], [sflag:$0x1] =	stream.indirect.gather [hbm4b:s2+s28], $0x80, s7, s28, $0xb8;
	[tilespmem:$0x1E800] =	vst v63  }
0x56: {  	_ =	swait.ge [sflag:s31], $0x4000  }
0x57: {  	[sflag:s31] =	ssyncset.done $0x0  }
0x58: {  	s8 =	simm.s32 $0x1480;
	[sflag:s31] =	ssyncadd.s32 $0xFFFFC000  }
0x59: {  	[spmem:s3] =	stream.indirect.scatter.add.f32 [tilespmem:s29], [sflag:$0x3], $0x80, s8, s28, $0xb8;
	[tilespmem:$0x1E800] =	vst v63  }
0x5a: {  	_ =	swait.ge [sflag:s21], $0x4000  }
0x5b: {  	[sflag:s21] =	ssyncset.done $0x0  }
0x5c: {  	s6 =	simm.s32 $0x400;
	s7 =	simm.s32 $0x180;
	[sflag:s21] =	ssyncadd.s32 $0xFFFFC000  }
.LBB2_4:
0x5d: {  	[tilespmem:s29], [sflag:$0x2] =	stream.indirect.gather [hbm4b:s2+s28], $0x80, s7, s28, $0xb8;
	[tilespmem:$0x1E800] =	vst v63  }
0x5e: {  	s7 =	smov.u32 s6  }
0x5f: {  	p0 =	sne.s32 s6, $0x4800;
	s6 =	sadd.s32 $0x400, s6;
	_ =	swait.ge [sflag:s30], $0x4000  }
0x60: {  	s7 =	sshra.s32 s7, $0x2;
	[sflag:s30] =	ssyncset.done $0x0  }
0x61: {  	s8 =	sadd.s32 $0x1400, s7;
	[sflag:s30] =	ssyncadd.s32 $0xFFFFC000  }
0x62: {  	[spmem:s3] =	stream.indirect.scatter.add.f32 [tilespmem:s20], [sflag:$0x3], $0x80, s8, s28, $0xb8;
	[tilespmem:$0x1E800] =	vst v63  }
0x63: {  	_ =	swait.ge [sflag:s21], $0x4000  }
0x64: {  	[sflag:s21] =	ssyncset.done $0x0  }
0x65: {  	s8 =	sadd.s32 $0x100, s7;
	[sflag:s21] =	ssyncadd.s32 $0xFFFFC000  }
0x66: {  	[tilespmem:s20], [sflag:$0x1] =	stream.indirect.gather [hbm4b:s2+s28], $0x80, s8, s28, $0xb8;
	[tilespmem:$0x1E800] =	vst v63  }
0x67: {  	_ =	swait.ge [sflag:s31], $0x4000  }
0x68: {  	[sflag:s31] =	ssyncset.done $0x0  }
.Ltmp1:
0x69: {  	s8 =	sadd.s32 $0x1480, s7;
	[sflag:s31] =	ssyncadd.s32 $0xFFFFC000;
	(pc) =	sbr.rel @p0 .LBB2_4-.Ltmp1, $4  }
0x6a: {  	[spmem:s3] =	stream.indirect.scatter.add.f32 [tilespmem:s29], [sflag:$0x3], $0x80, s8, s28, $0xb8;
	[tilespmem:$0x1E800] =	vst v63  }
0x6b: {  	_ =	swait.ge [sflag:s21], $0x4000  }
0x6c: {  	[sflag:s21] =	ssyncset.done $0x0  }
0x6d: {  	s7 =	sadd.s32 $0x180, s7;
	[sflag:s21] =	ssyncadd.s32 $0xFFFFC000  }
0x6e: {  	[tilespmem:s29], [sflag:$0x2] =	stream.indirect.gather [hbm4b:s2+s28], $0x80, s7, s28, $0xb8;
	[tilespmem:$0x1E800] =	vst v63  }
0x6f: {  	_ =	swait.ge [sflag:s30], $0x4000  }
0x70: {  	[sflag:s30] =	ssyncset.done $0x0  }
0x71: {  	[sflag:s30] =	ssyncadd.s32 $0xFFFFC000  }
0x72: {  	[spmem:s3] =	stream.indirect.scatter.add.f32 [tilespmem:s20], [sflag:$0x3], $0x80, s0, s28, $0xb8;
	[tilespmem:$0x1E800] =	vst v63  }
0x73: {  	_ =	swait.ge [sflag:s21], $0x4000  }
0x74: {  	[sflag:s21] =	ssyncset.done $0x0  }
0x75: {  	s6 =	simm.s32 $0x0;
	[sflag:s21] =	ssyncadd.s32 $0xFFFFC000  }
0x76: {  	[tilespmem:s20], [sflag:$0x1] =	stream.indirect.gather [hbm4b:s2+s28], $0x80, s6, s28, $0xb8;
	[tilespmem:$0x1E800] =	vst v63  }
0x77: {  	_ =	swait.ge [sflag:s31], $0x4000  }
0x78: {  	[sflag:s31] =	ssyncset.done $0x0  }
0x79: {  	[sflag:s31] =	ssyncadd.s32 $0xFFFFC000  }
0x7a: {  	[spmem:s3] =	stream.indirect.scatter.add.f32 [tilespmem:s29], [sflag:$0x3], $0x80, s1, s28, $0xb8;
	[tilespmem:$0x1E800] =	vst v63  }
0x7b: {  	_ =	swait.ge [sflag:s21], $0x4000  }
0x7c: {  	[sflag:s21] =	ssyncset.done $0x0  }
0x7d: {  	[sflag:s21] =	ssyncadd.s32 $0xFFFFC000  }
0x7e: {  	[tilespmem:s29], [sflag:$0x2] =	stream.indirect.gather [hbm4b:s2+s28], $0x80, s6, s28, $0xb8;
	[tilespmem:$0x1E800] =	vst v63  }
0x7f: {  	_ =	swait.ge [sflag:s30], $0x4000  }
0x80: {  	[sflag:s30] =	ssyncset.done $0x0  }
0x81: {  	[sflag:s30] =	ssyncadd.s32 $0xFFFFC000  }
0x82: {  	_ =	swait.ge [sflag:s31], $0x4000  }
0x83: {  	[sflag:s31] =	ssyncset.done $0x0  }
0x84: {  	s8 =	rddreg [dreg:$0x6];
	[sflag:s31] =	ssyncadd.s32 $0xFFFFC000  }
0x85: {  	[tilespmem:s6], [sflag:$0x3] =	stream.linear.gather [hbm4b:s8+s6], $0x1400, $0x38;
	[tilespmem:$0x1E800] =	vst v63  }
0x86: {  	_ =	swait.ge [sflag:s21], $0x1400  }
0x87: {  	[sflag:s21] =	ssyncset.done $0x0  }
0x88: {  	[sflag:s21] =	ssyncadd.s32 $0xFFFFEC00  }
0x89: {  	[tilespmem:s26], [sflag:$0x3] =	stream.linear.gather [hbm4b:s9+s6], $0x1400, $0x38;
	[tilespmem:$0x1E800] =	vst v63  }
0x8a: {  	_ =	swait.ge [sflag:s21], $0x1400  }
0x8b: {  	[sflag:s21] =	ssyncset.done $0x0  }
0x8c: {  	[sflag:s21] =	ssyncadd.s32 $0xFFFFEC00  }
0x8d: {  	[tilespmem:s20], [sflag:$0x1] =	stream.indirect.gather [hbm4b:s2+s28], $0x80, s6, s28, $0xb8;
	[tilespmem:$0x1E800] =	vst v63  }
0x8e: {  	_ = 	snop  }
0x8f: {  	[tilespmem:s29], [sflag:$0x2] =	stream.indirect.gather [hbm4b:s2+s28], $0x80, s28, s28, $0xb8;
	[tilespmem:$0x1E800] =	vst v63  }
0x90: {  	_ =	swait.ge [sflag:s30], $0x4000  }
0x91: {  	[sflag:s30] =	ssyncset.done $0x0  }
0x92: {  	s8 =	simm.s32 $0x1400;
	[sflag:s30] =	ssyncadd.s32 $0xFFFFC000  }
0x93: {  	[spmem:s3] =	stream.indirect.scatter.add.f32 [tilespmem:s20], [sflag:$0x3], $0x80, s8, s28, $0xb8;
	[tilespmem:$0x1E800] =	vst v63  }
0x94: {  	_ =	swait.ge [sflag:s21], $0x4000  }
0x95: {  	[sflag:s21] =	ssyncset.done $0x0  }
0x96: {  	s7 =	simm.s32 $0x100;
	[sflag:s21] =	ssyncadd.s32 $0xFFFFC000  }
0x97: {  	[tilespmem:s20], [sflag:$0x1] =	stream.indirect.gather [hbm4b:s2+s28], $0x80, s7, s28, $0xb8;
	[tilespmem:$0x1E800] =	vst v63  }
0x98: {  	_ =	swait.ge [sflag:s31], $0x4000  }
0x99: {  	[sflag:s31] =	ssyncset.done $0x0  }
0x9a: {  	s8 =	simm.s32 $0x1480;
	[sflag:s31] =	ssyncadd.s32 $0xFFFFC000  }
0x9b: {  	[spmem:s3] =	stream.indirect.scatter.add.f32 [tilespmem:s29], [sflag:$0x3], $0x80, s8, s28, $0xb8;
	[tilespmem:$0x1E800] =	vst v63  }
0x9c: {  	_ =	swait.ge [sflag:s21], $0x4000  }
0x9d: {  	[sflag:s21] =	ssyncset.done $0x0  }
0x9e: {  	s6 =	simm.s32 $0x400;
	s7 =	simm.s32 $0x180;
	[sflag:s21] =	ssyncadd.s32 $0xFFFFC000  }
.LBB2_6:
0x9f: {  	[tilespmem:s29], [sflag:$0x2] =	stream.indirect.gather [hbm4b:s2+s28], $0x80, s7, s28, $0xb8;
	[tilespmem:$0x1E800] =	vst v63  }
0xa0: {  	s7 =	smov.u32 s6  }
0xa1: {  	p0 =	sne.s32 s6, $0x4800;
	s6 =	sadd.s32 $0x400, s6;
	_ =	swait.ge [sflag:s30], $0x4000  }
0xa2: {  	s7 =	sshra.s32 s7, $0x2;
	[sflag:s30] =	ssyncset.done $0x0  }
0xa3: {  	s8 =	sadd.s32 $0x1400, s7;
	[sflag:s30] =	ssyncadd.s32 $0xFFFFC000  }
0xa4: {  	[spmem:s3] =	stream.indirect.scatter.add.f32 [tilespmem:s20], [sflag:$0x3], $0x80, s8, s28, $0xb8;
	[tilespmem:$0x1E800] =	vst v63  }
0xa5: {  	_ =	swait.ge [sflag:s21], $0x4000  }
0xa6: {  	[sflag:s21] =	ssyncset.done $0x0  }
0xa7: {  	s8 =	sadd.s32 $0x100, s7;
	[sflag:s21] =	ssyncadd.s32 $0xFFFFC000  }
0xa8: {  	[tilespmem:s20], [sflag:$0x1] =	stream.indirect.gather [hbm4b:s2+s28], $0x80, s8, s28, $0xb8;
	[tilespmem:$0x1E800] =	vst v63  }
0xa9: {  	_ =	swait.ge [sflag:s31], $0x4000  }
0xaa: {  	[sflag:s31] =	ssyncset.done $0x0  }
.Ltmp2:
0xab: {  	s8 =	sadd.s32 $0x1480, s7;
	[sflag:s31] =	ssyncadd.s32 $0xFFFFC000;
	(pc) =	sbr.rel @p0 .LBB2_6-.Ltmp2, $4  }
0xac: {  	[spmem:s3] =	stream.indirect.scatter.add.f32 [tilespmem:s29], [sflag:$0x3], $0x80, s8, s28, $0xb8;
	[tilespmem:$0x1E800] =	vst v63  }
0xad: {  	_ =	swait.ge [sflag:s21], $0x4000  }
0xae: {  	[sflag:s21] =	ssyncset.done $0x0  }
0xaf: {  	s7 =	sadd.s32 $0x180, s7;
	[sflag:s21] =	ssyncadd.s32 $0xFFFFC000  }
0xb0: {  	[tilespmem:s29], [sflag:$0x2] =	stream.indirect.gather [hbm4b:s2+s28], $0x80, s7, s28, $0xb8;
	[tilespmem:$0x1E800] =	vst v63  }
0xb1: {  	_ =	swait.ge [sflag:s30], $0x4000  }
0xb2: {  	[sflag:s30] =	ssyncset.done $0x0  }
0xb3: {  	[sflag:s30] =	ssyncadd.s32 $0xFFFFC000  }
0xb4: {  	[spmem:s3] =	stream.indirect.scatter.add.f32 [tilespmem:s20], [sflag:$0x3], $0x80, s0, s28, $0xb8;
	[tilespmem:$0x1E800] =	vst v63  }
0xb5: {  	_ =	swait.ge [sflag:s21], $0x4000  }
0xb6: {  	[sflag:s21] =	ssyncset.done $0x0  }
0xb7: {  	s6 =	simm.s32 $0x0;
	[sflag:s21] =	ssyncadd.s32 $0xFFFFC000  }
0xb8: {  	[tilespmem:s20], [sflag:$0x1] =	stream.indirect.gather [hbm4b:s2+s28], $0x80, s6, s28, $0xb8;
	[tilespmem:$0x1E800] =	vst v63  }
0xb9: {  	_ =	swait.ge [sflag:s31], $0x4000  }
0xba: {  	[sflag:s31] =	ssyncset.done $0x0  }
0xbb: {  	[sflag:s31] =	ssyncadd.s32 $0xFFFFC000  }
0xbc: {  	[spmem:s3] =	stream.indirect.scatter.add.f32 [tilespmem:s29], [sflag:$0x3], $0x80, s1, s28, $0xb8;
	[tilespmem:$0x1E800] =	vst v63  }
0xbd: {  	_ =	swait.ge [sflag:s21], $0x4000  }
0xbe: {  	[sflag:s21] =	ssyncset.done $0x0  }
0xbf: {  	[sflag:s21] =	ssyncadd.s32 $0xFFFFC000  }
0xc0: {  	[tilespmem:s29], [sflag:$0x2] =	stream.indirect.gather [hbm4b:s2+s28], $0x80, s6, s28, $0xb8;
	[tilespmem:$0x1E800] =	vst v63  }
0xc1: {  	_ =	swait.ge [sflag:s30], $0x4000  }
0xc2: {  	[sflag:s30] =	ssyncset.done $0x0  }
0xc3: {  	[sflag:s30] =	ssyncadd.s32 $0xFFFFC000  }
0xc4: {  	_ =	swait.ge [sflag:s31], $0x4000  }
0xc5: {  	s7 =	stileid.u32;
	[sflag:s31] =	ssyncset.done $0x0  }
0xc6: {  	s6 =	sshll.u32 s7, $0x6;
	[sflag:s31] =	ssyncadd.s32 $0xFFFFC000  }
0xc7: {  	s8 =	sshrl.u32 s5, $0x3;
	s6 =	sor.u32 $0x1C03, s6;
	[bflag:$0x0] =	sbarrier.arrive $0xFFFF  }
0xc8: {  	[hbm:s10], [sflag:s6] =	dma.local [spmem:s8], $0x800  }
0xc9: {  	_ =	swait.ge [sflag:s21], $0x800  }
0xca: {  	[sflag:s21] =	ssyncset.done $0x0  }
0xcb: {  	[sflag:s21] =	ssyncadd.s32 $0xFFFFF800  }
0xcc: {  	[hbm:s16], [sflag:s6] =	dma.local [spmem:s22], $0x800  }
0xcd: {  	_ =	swait.ge [sflag:s21], $0x800  }
0xce: {  	[sflag:s21] =	ssyncset.done $0x0  }
0xcf: {  	[sflag:s21] =	ssyncadd.s32 $0xFFFFF800  }
0xd0: {  	[hbm:s17], [sflag:s6] =	dma.local [spmem:s23], $0x800  }
0xd1: {  	_ =	swait.ge [sflag:s21], $0x800  }
0xd2: {  	[sflag:s21] =	ssyncset.done $0x0  }
0xd3: {  	[sflag:s21] =	ssyncadd.s32 $0xFFFFF800  }
0xd4: {  	[hbm:s18], [sflag:s6] =	dma.local [spmem:s24], $0x800  }
0xd5: {  	s4 =	sadd.s32 $0x1, s4;
	_ =	swait.ge [sflag:s21], $0x800  }
0xd6: {  	p0 =	sne.s32 s4, s11;
	[sflag:s21] =	ssyncset.done $0x0  }
.Ltmp3:
0xd7: {  	[sflag:s21] =	ssyncadd.s32 $0xFFFFF800;
	(pc) =	sbr.rel @p0 .LBB2_1-.Ltmp3, $4  }
0xd8: {  	[hbm:s19], [sflag:s6] =	dma.local [spmem:s25], $0x800  }
0xd9: {  	_ =	swait.ge [sflag:s21], $0x800  }
0xda: {  	[sflag:s21] =	ssyncset.done $0x0  }
0xdb: {  	[sflag:s21] =	ssyncadd.s32 $0xFFFFF800  }
0xdc: {  	_ =	sfence.sel $0x180000  }
0xdd: {  	[bflag:$0x0] =	sbarrier.arrive $0xFFFF  }
0xde: {  	_ =	strace $0x90000047  }
0xdf: {  	s0 =	stileid.u32;
	[bflag:$0x2] =	sbarrier.arrive $0xFFFF  }
0xe0: {  	p0 =	sne.s32 s0, $0x0;
	s0 =	rddreg [dreg:$0x3]  }
0xe1: {  	s0 =	sadd.s32 @!p0 $0x100000, s0  }
0xe2: {  	[sflag:s0] =	ssyncadd.tile.s32 @!p0 $0x1;
	_ =	shalt  }
.Lfunc_end2:
_tile_overlayer_lowered:
.L_overlay_start_2:
0xe3: {  	(tag) =	ssettag $0x2  }
0xe4: {  	s0 =	rddreg [dreg:$0x0];
	s2 =	stileid.u32  }
0xe5: {  	s1 =	rddreg [dreg:$0x1];
	p0 =	sne.s32 s2, $0x0  }
0xe6: {  	s3 =	rddreg [dreg:$0x2];
	[bflag:$0x3] =	sbarrier.arrive $0xFFFF;
	s2 =	simm.s32 @!p0 $0x1C03  }
0xe7: {  	[timem:s3], [sflag:s2] =	dma.local @!p0 [hbm:s0], s1  }
0xe8: {  	s0 =	simm.s32 @!p0 $0x3  }
0xe9: {  	_ =	swait.ge @!p0 [sflag:s0], s1  }
0xea: {  	s1 =	ssub.s32 @!p0 $0x0, s1;
	[sflag:s0] =	ssyncset.done @!p0 $0x0  }
0xeb: {  	[sflag:s0] =	ssyncadd.s32 @!p0 s1  }
0xec: {  	[bflag:$0x3] =	sbarrier.arrive $0xFFFF  }
0xed: {  	_ =	shalt  }

// kernel: kernel.13.cloned.1.call-start
scs
__scs_entry_jumppad:
0x0: {  	(pc) =	sbr.rel $0x88, $3  }
0x1: {  	(tag) =	ssettag $0x0;
	lr =	simm.s32 $0x1  }
0x2: {  	[smem:$0x3F9B] =	sst lr;
	_ =	strace $0xD0000000  }
0x3: {  	_ = 	snop  }
0x4: {  	_ = 	snop  }
0x5: {  	_ = 	snop  }
0x6: {  	_ = 	snop  }
0x7: {  	_ = 	snop  }
__scs_overlays_trampoline_lowered:
0x8: {  	[smem:$0x3FAA] =	sst s0  }
0x9: {  	[smem:$0x3FAB] =	sst s1  }
0xa: {  	[smem:$0x3FAC] =	sst s2  }
0xb: {  	[smem:$0x3FAD] =	sst s3  }
0xc: {  	[smem:$0x3FAE] =	sst s4  }
0xd: {  	[smem:$0x3FAF] =	sst s5  }
0xe: {  	[smem:$0x3FB0] =	sst s6  }
0xf: {  	[smem:$0x3FB1] =	sst s7  }
0x10: {  	[smem:$0x3FB2] =	sst s8  }
0x11: {  	[smem:$0x3FB3] =	sst s9;
	s0 =	simm.s32 @!p0 $0x0  }
0x12: {  	s1 =	sld [smem:$0x3F99];
	s0 =	simm.s32 @p0 $0x1  }
0x13: {  	[smem:$0x3FB4] =	sst s0;
	s0 =	simm.s32 @!p1 $0x0  }
0x14: {  	s2 =	sld [smem:$0x3F98];
	s0 =	simm.s32 @p1 $0x1  }
0x15: {  	[smem:$0x3FB5] =	sst s0;
	s0 =	simm.s32 @!p2 $0x0  }
0x16: {  	s3 =	sld [smem:$0x3FDB];
	s0 =	simm.s32 @p2 $0x1  }
0x17: {  	s4 =	simm.s32 $0x1BF5;
	[smem:$0x3FB7] =	sst s0  }
0x18: {  	s0 =	sld [smem:$0x3F9A];
	_ =	swait.ge [sflag:s4], $0x0  }
0x19: {  	s7 =	sld [smem:$0x3F9B]  }
0x1a: {  	s8 =	sadd.s32 $0xFFFFE003, lr  }
0x1b: {  	s9 =	sadd.s32 $0xFFFFFEF7, lr;
	s5 =	simm.s32 $0xFFFFFFFF;
	p2 =	slt.u32 s8, $0xFFFFF086  }
0x1c: {  	p1 =	slt.u32 s9, $0xF7A;
	s5 =	simm.s32 @!p2 $0x0  }
0x1d: {  	s5 =	simm.s32 @p1 $0x1;
	p0 =	seq.s32 s7, s2  }
0x1e: {  	s7 =	smul.u32 @!p0 $0xF7A, s2;
	p2 =	seq.s32 @!p0 s5, $0x0  }
0x1f: {  	s9 =	smul.u32 $0xF7A, s1;
	s8 =	simm.s32 @!p0 $0x1BF5;
	p2 =	por !p2, p0  }
0x20: {  	[sflag:s8] =	ssyncset.s32 @!p0 $0xFFFFF086;
	s6 =	sadd.s32 @!p0 s3, s7;
	s7 =	simm.s32 @!p0 $0x108  }
0x21: {  	s3 =	sadd.s32 s3, s9;
	s6 =	sadd.s32 @!p0 $0x88, s6;
	s7 =	simm.s32 @p2 $0x1082  }
0x22: {  	[simem:s7], [sflag:s8] =	dma.local @!p0 [hbm:s6], $0xF7A  }
0x23: {  	s9 =	sor.u32 $0xD0000000, s2;
	s6 =	simm.s32 $0x108;
	_ =	swait.ge @!p0 [sflag:s8], $0x0  }
0x24: {  	s3 =	sadd.s32 $0x88, s3;
	s6 =	simm.s32 @!p1 $0x1082;
	[sflag:s4] =	ssyncset.s32 $0xFFFFF086  }
0x25: {  	[simem:s6], [sflag:s4] =	dma.local [hbm:s3], $0xF7A  }
0x26: {  	[smem:$0x3F9B] =	sst s1;
	(tag) =	ssettag s2;
	_ =	strace s9  }
0x27: {  	s1 =	sld [smem:$0x3FAB]  }
0x28: {  	s2 =	sld [smem:$0x3FAC]  }
0x29: {  	s4 =	sld [smem:$0x3FAE]  }
0x2a: {  	p0 =	seq.s32 s5, $0x0;
	s5 =	sld [smem:$0x3FAF]  }
0x2b: {  	s6 =	sld [smem:$0x3FB0]  }
0x2c: {  	s7 =	sld [smem:$0x3FB1]  }
0x2d: {  	s3 =	simm.s32 $0x108;
	s8 =	sld [smem:$0x3FB2]  }
0x2e: {  	s3 =	simm.s32 @!p0 $0x1082;
	s9 =	sld [smem:$0x3FB3]  }
0x2f: {  	lr =	sadd.s32 s0, s3;
	s0 =	sld [smem:$0x3FAA]  }
0x30: {  	s3 =	sld [smem:$0x3FAD]  }
0x31: {  	[smem:$0x3FB6] =	sst s10  }
0x32: {  	s10 =	sld [smem:$0x3FB4];
	_ =	sdelay $0x3  }
0x33: {  	p0 =	seq.s32 s10, $0x1;
	s10 =	sld [smem:$0x3FB6];
	_ =	sdelay $0x3  }
0x34: {  	[smem:$0x3FB6] =	sst s10  }
0x35: {  	s10 =	sld [smem:$0x3FB5];
	_ =	sdelay $0x3  }
0x36: {  	p1 =	seq.s32 s10, $0x1;
	s10 =	sld [smem:$0x3FB6];
	_ =	sdelay $0x3  }
0x37: {  	[smem:$0x3FB6] =	sst s10  }
0x38: {  	s10 =	sld [smem:$0x3FB7]  }
0x39: {  	_ = 	snop;
	(pc) =	sbr.ind lr, $3  }
0x3a: {  	_ = 	snop  }
0x3b: {  	_ = 	snop  }
0x3c: {  	p2 =	seq.s32 s10, $0x1;
	s10 =	sld [smem:$0x3FB6]  }
0x3d: {  	_ =	shalt  }
0x3e: {  	_ =	shalt  }
0x3f: {  	_ =	shalt  }
0x40: {  	_ =	shalt  }
0x41: {  	_ =	shalt  }
0x42: {  	_ =	shalt  }
0x43: {  	_ =	shalt  }
0x44: {  	_ =	shalt  }
0x45: {  	_ =	shalt  }
0x46: {  	_ =	shalt  }
0x47: {  	_ =	shalt  }
0x48: {  	_ =	shalt  }
0x49: {  	_ =	shalt  }
0x4a: {  	_ =	shalt  }
0x4b: {  	_ =	shalt  }
0x4c: {  	_ =	shalt  }
0x4d: {  	_ =	shalt  }
0x4e: {  	_ =	shalt  }
0x4f: {  	_ =	shalt  }
0x50: {  	_ =	shalt  }
0x51: {  	_ =	shalt  }
0x52: {  	_ =	shalt  }
0x53: {  	_ =	shalt  }
0x54: {  	_ =	shalt  }
0x55: {  	_ =	shalt  }
0x56: {  	_ =	shalt  }
0x57: {  	_ =	shalt  }
0x58: {  	_ =	shalt  }
0x59: {  	_ =	shalt  }
0x5a: {  	_ =	shalt  }
0x5b: {  	_ =	shalt  }
0x5c: {  	_ =	shalt  }
0x5d: {  	_ =	shalt  }
0x5e: {  	_ =	shalt  }
0x5f: {  	_ =	shalt  }
0x60: {  	_ =	shalt  }
0x61: {  	_ =	shalt  }
0x62: {  	_ =	shalt  }
0x63: {  	_ =	shalt  }
0x64: {  	_ =	shalt  }
0x65: {  	_ =	shalt  }
0x66: {  	_ =	shalt  }
0x67: {  	_ =	shalt  }
0x68: {  	_ =	shalt  }
0x69: {  	_ =	shalt  }
0x6a: {  	_ =	shalt  }
0x6b: {  	_ =	shalt  }
0x6c: {  	_ =	shalt  }
0x6d: {  	_ =	shalt  }
0x6e: {  	_ =	shalt  }
0x6f: {  	_ =	shalt  }
0x70: {  	_ =	shalt  }
0x71: {  	_ =	shalt  }
0x72: {  	_ =	shalt  }
0x73: {  	_ =	shalt  }
0x74: {  	_ =	shalt  }
0x75: {  	_ =	shalt  }
0x76: {  	_ =	shalt  }
0x77: {  	_ =	shalt  }
0x78: {  	_ =	shalt  }
0x79: {  	_ =	shalt  }
0x7a: {  	_ =	shalt  }
0x7b: {  	_ =	shalt  }
0x7c: {  	_ =	shalt  }
0x7d: {  	_ =	shalt  }
0x7e: {  	_ =	shalt  }
0x7f: {  	_ =	shalt  }
0x80: {  	_ =	shalt  }
0x81: {  	_ =	shalt  }
0x82: {  	_ =	shalt  }
0x83: {  	_ =	shalt  }
0x84: {  	_ =	shalt  }
0x85: {  	_ =	shalt  }
0x86: {  	_ =	shalt  }
0x87: {  	_ =	shalt  }
.Lfunc_end0:
.L_simem_size_0:
called_computation.2_lowered:
.L_overlay_start_0:
0x88: {  	s2 =	sld [smem:$0x3FD9]  }
0x89: {  	s3 =	sld [smem:$0x3FFE];
	_ =	sdelay $0x1  }
0x8a: {  	s1 =	srdreg.scid  }
0x8b: {  	s0 =	sand.u32 $0x1, s1  }
0x8c: {  	s14 =	sshll.u32 s0, $0xA;
	s2 =	sadd.s32 s3, s2  }
0x8d: {  	s2 =	sadd.s32 s2, s14  }
0x8e: {  	[smem:$0x3FC2] =	sst s2  }
0x8f: {  	_ = 	snop  }
0x90: {  	s2 =	sld [smem:$0x3FD0];
	_ =	sdelay $0x2  }
0x91: {  	s15 =	simm.s32 $0xB;
	s4 =	simm.s32 $0x10  }
0x92: {  	[smem:s4], [sflag:s15] =	dma.local [hbm:s2], $0x1  }
0x93: {  	_ =	swait.eq [sflag:s15], $0x1  }
0x94: {  	[sflag:s15] =	ssyncset.done $0x0  }
0x95: {  	[sflag:s15] =	ssyncadd.s32 $0xFFFFFFFF  }
0x96: {  	s16 =	sld [smem:$0x11];
	(tm) =	ssettm $0x1  }
0x97: {  	s17 =	sld [smem:$0x3FFB];
	_ =	sdelay $0x3  }
0x98: {  	_ =	strace s17  }
0x99: {  	s3 =	sld [smem:$0x3FFC];
	_ =	sdelay $0x3  }
0x9a: {  	_ =	strace s3  }
0x9b: {  	s3 =	sld [smem:$0x3FFD];
	_ =	sdelay $0x3  }
0x9c: {  	_ =	strace s3  }
0x9d: {  	_ =	strace $0x8FFFFFFF  }
0x9e: {  	s18 =	sld [smem:$0x3FDB];
	_ =	sdelay $0x1  }
0x9f: {  	s19 =	simm.s32 $_scs_section_size  }
0xa0: {  	s5 =	simm.s32 $_size__tile_overlayer_lowered;
	s6 =	simm.s32 $_tile_overlayer_lowered  }
0xa1: {  	s22 =	simm.s32 $0x1BFF;
	s21 =	sshll.u32 s6, $0x1;
	s3 =	sadd.s32 s19, s18  }
0xa2: {  	s7 =	simm.s32 $0x0;
	s20 =	sshll.u32 s5, $0x1;
	s5 =	sadd.s32 s21, s3  }
0xa3: {  	[timem:s7], [sflag:s22] =	dma.local [hbm:s5], s20  }
0xa4: {  	_ =	swait.ge [sflag:s22], s20  }
0xa5: {  	s4 =	ssub.s32 $0x0, s20;
	[sflag:s22] =	ssyncset.done $0x0  }
0xa6: {  	[sflag:s22] =	ssyncadd.s32 s4;
	_ =	sdelay $0x1  }
0xa7: {  	s23 =	simm.s32 $0x1B8B  }
0xa8: {  	_ =	swait.ge [sflag:s23], $0x1  }
0xa9: {  	[sflag:s23] =	ssyncset.done $0x0  }
0xaa: {  	s25 =	simm.s32 $0x1B8E;
	s24 =	sld [smem:$0x3FFE];
	[sflag:s23] =	ssyncadd.s32 $0xFFFFFFFF  }
0xab: {  	s26 =	simm.s32 $execute0_lowered;
	[smem:$0x3FD2] =	sst s25  }
0xac: {  	s5 =	sshll.u32 s26, $0x1;
	_ =	strace $0x8000004C;
	[dreg:$0x1] =	wrdreg $0xFFFFFFFF  }
0xad: {  	s28 =	simm.s32 $_size_execute0_lowered;
	s3 =	sadd.s32 s3, s5;
	[dreg:$0x0] =	wrdreg $0x0  }
0xae: {  	s5 =	sshll.u32 s28, $0x1;
	[dreg:$0x2] =	wrdreg s3  }
0xaf: {  	[dreg:$0x3] =	wrdreg s5  }
0xb0: {  	[dreg:$0x4] =	wrdreg $0xC0  }
0xb1: {  	_ =	task [dreg:s7], $0x5FFFF  }
0xb2: {  	[dreg:$0x1] =	wrdreg $0xFFFFFFFF  }
0xb3: {  	[dreg:$0x0] =	wrdreg $0x60  }
0xb4: {  	[dreg:$0x2] =	wrdreg s24  }
0xb5: {  	[dreg:$0x3] =	wrdreg s16  }
0xb6: {  	[dreg:$0x4] =	wrdreg $0xA8000  }
0xb7: {  	[dreg:$0x5] =	wrdreg $0x9  }
0xb8: {  	_ =	task.clear_ibuf [dreg:s7], $0x6FFFF;
	_ =	strace $0x9000004C  }
0xb9: {  	s29 =	simm.s32 $0x9;
	_ =	strace $0x8000004E  }
0xba: {  	_ =	swait.ge [sflag:s29], $0x1  }
0xbb: {  	[sflag:s29] =	ssyncadd.s32 $0xFFFFFFFF  }
0xbc: {  	_ =	strace $0x9000004E  }
0xbd: {  	_ =	sfence  }
0xbe: {  	s30 =	sld [smem:$0x0];
	_ =	sdelay $0x2  }
0xbf: {  	s31 =	sshll.u32 s1, $0xD;
	s1 =	sshrl.u32 s1, $0x2  }
0xc0: {  	s3 =	sand.u32 $0x4000, s31;
	s1 =	sadd.s32 s1, s30  }
0xc1: {  	s0 =	sor.u32 s3, s0;
	s1 =	sshll.u32 s1, $0x11  }
0xc2: {  	s0 =	sor.u32 s1, s0  }
0xc3: {  	s0 =	sadd.s32 $0x8F2B, s0  }
0xc4: {  	[sflag:s0] =	ssyncadd.remote.s32 $0x1  }
0xc5: {  	_ =	sfence.sel $0xFFFF  }
0xc6: {  	[dreg:$0x0] =	wrdreg $0xFFFFFFFF;
	(pc) =	sbr.abs _section_cstart, $3  }
0xc7: {  	[dreg:$0x1] =	wrdreg $0xFFFFFFFF  }
0xc8: {  	_ =	task.clear_ibuf [dreg:s7], $0x2FFFF;
	_ =	strace $0x9FFFFFFF  }
0xc9: {  	(tm) =	ssettm $0x7FFFFFFF  }
tec
execute0_lowered:
.L_overlay_start_1:
0x0: {  	(tag) =	ssettag $0x1  }
0x1: {  	s0 =	rddreg [dreg:$0x0]  }
0x2: {  	s2 =	rddreg [dreg:$0x1]  }
0x3: {  	s3 =	rddreg [dreg:$0x2]  }
0x4: {  	s1 =	srdreg.scid;
	s10 =	stileid.u32  }
0x5: {  	s5 =	simm.s32 $0x0;
	s28 =	simm.s32 $0x80;
	s29 =	simm.s32 $0x6800  }
0x6: {  	s30 =	simm.s32 $0x1;
	s31 =	simm.s32 $0x2;
	s1 =	sand.u32 $0x1, s1  }
0x7: {  	s4 =	sshll.u32 s10, $0x1;
	[smem:$0x7FF] =	sst s5;
	s14 =	smul.u32 $0x50000, s10  }
0x8: {  	s6 =	sadd.s32 $0x3000, s0;
	s7 =	sadd.s32 $0xD000, s0;
	s17 =	smul.u32 $0x14000, s10  }
0x9: {  	s4 =	sor.u32 s1, s4;
	s8 =	ssub.s32 $0x2, s1;
	s1 =	smul.u32 $0x140000, s1  }
0xa: {  	s0 =	sadd.s32 $0x67000, s0;
	_ =	strace $0x8000004D;
	s4 =	smul.u32 $0x2800, s4  }
0xb: {  	s9 =	sshrl.u32 s8, $0x1;
	s5 =	sshrl.u32 s14, $0x2;
	s20 =	sadd.s32 $0x4000, s17  }
0xc: {  	s22 =	sadd.s32 $0x8000, s17;
	s11 =	ssub.s32 s8, s9;
	s5 =	sadd.s32 s5, s3  }
0xd: {  	s16 =	sadd.s32 s1, s17;
	s21 =	sadd.s32 s1, s20;
	s23 =	sadd.s32 s1, s22  }
0xe: {  	s4 =	sshrl.u32 s4, $0x3;
	s19 =	sshrl.u32 s16, $0x3;
	s11 =	smax.u32 s11, $0x1  }
0xf: {  	s12 =	sadd.s32 $0x4000, s5;
	s13 =	sadd.s32 $0x8000, s5;
	s14 =	sadd.s32 $0xC000, s5  }
0x10: {  	s15 =	sadd.s32 s6, s4;
	s18 =	sadd.s32 s7, s4;
	s4 =	sadd.s32 $0x280, s4  }
0x11: {  	s10 =	sadd.s32 s0, s19;
	s19 =	sadd.s32 $0xC000, s17;
	[dreg:$0x4] =	wrdreg s15  }
0x12: {  	[dreg:$0x5] =	wrdreg s18;
	s6 =	sadd.s32 s6, s4;
	s9 =	sadd.s32 s7, s4  }
0x13: {  	s15 =	sadd.s32 $0x10000, s5;
	s4 =	sadd.s32 s20, s3;
	s20 =	sadd.s32 $0x10000, s17  }
0x14: {  	s24 =	sadd.s32 s1, s19;
	s7 =	sadd.s32 s22, s3;
	s25 =	sadd.s32 s19, s3  }
0x15: {  	[dreg:$0x6] =	wrdreg s6;
	s6 =	sshrl.u32 s21, $0x3;
	s1 =	sadd.s32 s1, s20  }
0x16: {  	s26 =	sadd.s32 s20, s3;
	s20 =	simm.s32 $0x2800;
	s21 =	simm.s32 $0x3  }
0x17: {  	s22 =	sshrl.u32 s4, $0x3;
	s4 =	simm.s32 $0x0;
	s16 =	sadd.s32 s0, s6  }
0x18: {  	s6 =	sshrl.u32 s23, $0x3;
	s1 =	sshrl.u32 s1, $0x3;
	s23 =	sshrl.u32 s7, $0x3  }
0x19: {  	s17 =	sadd.s32 s0, s6;
	s6 =	sshrl.u32 s24, $0x3;
	s19 =	sadd.s32 s0, s1  }
0x1a: {  	s24 =	sshrl.u32 s25, $0x3;
	s25 =	sshrl.u32 s26, $0x3;
	s26 =	simm.s32 $0x1400  }
0x1b: {  	v0 =	vimm.f32 $0.0e+00;
	s1 =	simm.s32 $0x2780;
	s18 =	sadd.s32 s0, s6;
	s0 =	simm.s32 $0x2700  }
.LBB2_1:
0x1c: {  	s6 =	simm.s32 $0x0;
	s7 =	simm.s32 $0x200  }
.LBB2_2:
0x1d: {  	p0 =	sne.s32 s7, $0xFE00;
	[tilespmem:s6+$0x2870] =	vst v0  }
0x1e: {  	[tilespmem:s6+$0x2800] =	vst v0  }
0x1f: {  	[tilespmem:s6+$0x2810] =	vst v0  }
.Ltmp0:
0x20: {  	[tilespmem:s6+$0x2820] =	vst v0;
	(pc) =	sbr.rel @p0 .LBB2_2-.Ltmp0, $4  }
0x21: {  	[tilespmem:s6+$0x2830] =	vst v0  }
0x22: {  	[tilespmem:s6+$0x2840] =	vst v0  }
0x23: {  	[tilespmem:s6+$0x2850] =	vst v0  }
0x24: {  	[tilespmem:s6+$0x2860] =	vst v0;
	s6 =	sshra.s32 s7, $0x2;
	s7 =	sadd.s32 $0x200, s7  }
0x25: {  	[tilespmem:s6+$0x2870] =	vst v0  }
0x26: {  	[tilespmem:s6+$0x2800] =	vst v0  }
0x27: {  	[tilespmem:s6+$0x2810] =	vst v0  }
0x28: {  	[tilespmem:s6+$0x2820] =	vst v0  }
0x29: {  	[tilespmem:s6+$0x2830] =	vst v0  }
0x2a: {  	[tilespmem:s6+$0x2840] =	vst v0  }
0x2b: {  	[tilespmem:s6+$0x2850] =	vst v0  }
0x2c: {  	[tilespmem:s6+$0x2860] =	vst v0  }
0x2d: {  	[spmem:s5] =	stream.linear.scatter [tilespmem:s20], [sflag:$0x3], $0x4000, $0x38;
	[tilespmem:$0x1E800] =	vst v63  }
0x2e: {  	_ =	swait.ge [sflag:s21], $0x4000  }
0x2f: {  	[sflag:s21] =	ssyncset.done $0x0  }
0x30: {  	[sflag:s21] =	ssyncadd.s32 $0xFFFFC000  }
0x31: {  	[spmem:s12] =	stream.linear.scatter [tilespmem:s20], [sflag:$0x3], $0x4000, $0x38;
	[tilespmem:$0x1E800] =	vst v63  }
0x32: {  	_ =	swait.ge [sflag:s21], $0x4000  }
0x33: {  	[sflag:s21] =	ssyncset.done $0x0  }
0x34: {  	[sflag:s21] =	ssyncadd.s32 $0xFFFFC000  }
0x35: {  	[spmem:s13] =	stream.linear.scatter [tilespmem:s20], [sflag:$0x3], $0x4000, $0x38;
	[tilespmem:$0x1E800] =	vst v63  }
0x36: {  	_ =	swait.ge [sflag:s21], $0x4000  }
0x37: {  	[sflag:s21] =	ssyncset.done $0x0  }
0x38: {  	[sflag:s21] =	ssyncadd.s32 $0xFFFFC000  }
0x39: {  	[spmem:s14] =	stream.linear.scatter [tilespmem:s20], [sflag:$0x3], $0x4000, $0x38;
	[tilespmem:$0x1E800] =	vst v63  }
0x3a: {  	_ =	swait.ge [sflag:s21], $0x4000  }
0x3b: {  	[sflag:s21] =	ssyncset.done $0x0  }
0x3c: {  	[sflag:s21] =	ssyncadd.s32 $0xFFFFC000  }
0x3d: {  	[spmem:s15] =	stream.linear.scatter [tilespmem:s20], [sflag:$0x3], $0x4000, $0x38;
	[tilespmem:$0x1E800] =	vst v63  }
0x3e: {  	_ =	swait.ge [sflag:s21], $0x4000  }
0x3f: {  	[sflag:s21] =	ssyncset.done $0x0  }
0x40: {  	[sflag:s21] =	ssyncadd.s32 $0xFFFFC000  }
0x41: {  	[bflag:$0x0] =	sbarrier.arrive $0xFFFF  }
0x42: {  	s6 =	simm.s32 $0x0;
	s7 =	rddreg [dreg:$0x4]  }
0x43: {  	[tilespmem:s6], [sflag:$0x3] =	stream.linear.gather [hbm4b:s7+s6], $0x1400, $0x38;
	[tilespmem:$0x1E800] =	vst v63  }
0x44: {  	_ =	swait.ge [sflag:s21], $0x1400  }
0x45: {  	[sflag:s21] =	ssyncset.done $0x0  }
0x46: {  	s8 =	rddreg [dreg:$0x5];
	[sflag:s21] =	ssyncadd.s32 $0xFFFFEC00  }
0x47: {  	[tilespmem:s26], [sflag:$0x3] =	stream.linear.gather [hbm4b:s8+s6], $0x1400, $0x38;
	[tilespmem:$0x1E800] =	vst v63  }
0x48: {  	_ =	swait.ge [sflag:s21], $0x1400  }
0x49: {  	[sflag:s21] =	ssyncset.done $0x0  }
0x4a: {  	[sflag:s21] =	ssyncadd.s32 $0xFFFFEC00  }
0x4b: {  	[tilespmem:s20], [sflag:$0x1] =	stream.indirect.gather [hbm4b:s2+s28], $0x80, s6, s28, $0xb8;
	[tilespmem:$0x1E800] =	vst v63  }
0x4c: {  	_ = 	snop  }
0x4d: {  	[tilespmem:s29], [sflag:$0x2] =	stream.indirect.gather [hbm4b:s2+s28], $0x80, s28, s28, $0xb8;
	[tilespmem:$0x1E800] =	vst v63  }
0x4e: {  	_ =	swait.ge [sflag:s30], $0x4000  }
0x4f: {  	[sflag:s30] =	ssyncset.done $0x0  }
0x50: {  	s8 =	simm.s32 $0x1400;
	[sflag:s30] =	ssyncadd.s32 $0xFFFFC000  }
0x51: {  	[spmem:s3] =	stream.indirect.scatter.add.f32 [tilespmem:s20], [sflag:$0x3], $0x80, s8, s28, $0xb8;
	[tilespmem:$0x1E800] =	vst v63  }
0x52: {  	_ =	swait.ge [sflag:s21], $0x4000  }
0x53: {  	[sflag:s21] =	ssyncset.done $0x0  }
0x54: {  	s7 =	simm.s32 $0x100;
	[sflag:s21] =	ssyncadd.s32 $0xFFFFC000  }
0x55: {  	[tilespmem:s20], [sflag:$0x1] =	stream.indirect.gather [hbm4b:s2+s28], $0x80, s7, s28, $0xb8;
	[tilespmem:$0x1E800] =	vst v63  }
0x56: {  	_ =	swait.ge [sflag:s31], $0x4000  }
0x57: {  	[sflag:s31] =	ssyncset.done $0x0  }
0x58: {  	s8 =	simm.s32 $0x1480;
	[sflag:s31] =	ssyncadd.s32 $0xFFFFC000  }
0x59: {  	[spmem:s3] =	stream.indirect.scatter.add.f32 [tilespmem:s29], [sflag:$0x3], $0x80, s8, s28, $0xb8;
	[tilespmem:$0x1E800] =	vst v63  }
0x5a: {  	_ =	swait.ge [sflag:s21], $0x4000  }
0x5b: {  	[sflag:s21] =	ssyncset.done $0x0  }
0x5c: {  	s6 =	simm.s32 $0x400;
	s7 =	simm.s32 $0x180;
	[sflag:s21] =	ssyncadd.s32 $0xFFFFC000  }
.LBB2_4:
0x5d: {  	[tilespmem:s29], [sflag:$0x2] =	stream.indirect.gather [hbm4b:s2+s28], $0x80, s7, s28, $0xb8;
	[tilespmem:$0x1E800] =	vst v63  }
0x5e: {  	s7 =	smov.u32 s6  }
0x5f: {  	p0 =	sne.s32 s6, $0x4800;
	s6 =	sadd.s32 $0x400, s6;
	_ =	swait.ge [sflag:s30], $0x4000  }
0x60: {  	s7 =	sshra.s32 s7, $0x2;
	[sflag:s30] =	ssyncset.done $0x0  }
0x61: {  	s8 =	sadd.s32 $0x1400, s7;
	[sflag:s30] =	ssyncadd.s32 $0xFFFFC000  }
0x62: {  	[spmem:s3] =	stream.indirect.scatter.add.f32 [tilespmem:s20], [sflag:$0x3], $0x80, s8, s28, $0xb8;
	[tilespmem:$0x1E800] =	vst v63  }
0x63: {  	_ =	swait.ge [sflag:s21], $0x4000  }
0x64: {  	[sflag:s21] =	ssyncset.done $0x0  }
0x65: {  	s8 =	sadd.s32 $0x100, s7;
	[sflag:s21] =	ssyncadd.s32 $0xFFFFC000  }
0x66: {  	[tilespmem:s20], [sflag:$0x1] =	stream.indirect.gather [hbm4b:s2+s28], $0x80, s8, s28, $0xb8;
	[tilespmem:$0x1E800] =	vst v63  }
0x67: {  	_ =	swait.ge [sflag:s31], $0x4000  }
0x68: {  	[sflag:s31] =	ssyncset.done $0x0  }
.Ltmp1:
0x69: {  	s8 =	sadd.s32 $0x1480, s7;
	[sflag:s31] =	ssyncadd.s32 $0xFFFFC000;
	(pc) =	sbr.rel @p0 .LBB2_4-.Ltmp1, $4  }
0x6a: {  	[spmem:s3] =	stream.indirect.scatter.add.f32 [tilespmem:s29], [sflag:$0x3], $0x80, s8, s28, $0xb8;
	[tilespmem:$0x1E800] =	vst v63  }
0x6b: {  	_ =	swait.ge [sflag:s21], $0x4000  }
0x6c: {  	[sflag:s21] =	ssyncset.done $0x0  }
0x6d: {  	s7 =	sadd.s32 $0x180, s7;
	[sflag:s21] =	ssyncadd.s32 $0xFFFFC000  }
0x6e: {  	[tilespmem:s29], [sflag:$0x2] =	stream.indirect.gather [hbm4b:s2+s28], $0x80, s7, s28, $0xb8;
	[tilespmem:$0x1E800] =	vst v63  }
0x6f: {  	_ =	swait.ge [sflag:s30], $0x4000  }
0x70: {  	[sflag:s30] =	ssyncset.done $0x0  }
0x71: {  	[sflag:s30] =	ssyncadd.s32 $0xFFFFC000  }
0x72: {  	[spmem:s3] =	stream.indirect.scatter.add.f32 [tilespmem:s20], [sflag:$0x3], $0x80, s0, s28, $0xb8;
	[tilespmem:$0x1E800] =	vst v63  }
0x73: {  	_ =	swait.ge [sflag:s21], $0x4000  }
0x74: {  	[sflag:s21] =	ssyncset.done $0x0  }
0x75: {  	s6 =	simm.s32 $0x0;
	[sflag:s21] =	ssyncadd.s32 $0xFFFFC000  }
0x76: {  	[tilespmem:s20], [sflag:$0x1] =	stream.indirect.gather [hbm4b:s2+s28], $0x80, s6, s28, $0xb8;
	[tilespmem:$0x1E800] =	vst v63  }
0x77: {  	_ =	swait.ge [sflag:s31], $0x4000  }
0x78: {  	[sflag:s31] =	ssyncset.done $0x0  }
0x79: {  	[sflag:s31] =	ssyncadd.s32 $0xFFFFC000  }
0x7a: {  	[spmem:s3] =	stream.indirect.scatter.add.f32 [tilespmem:s29], [sflag:$0x3], $0x80, s1, s28, $0xb8;
	[tilespmem:$0x1E800] =	vst v63  }
0x7b: {  	_ =	swait.ge [sflag:s21], $0x4000  }
0x7c: {  	[sflag:s21] =	ssyncset.done $0x0  }
0x7d: {  	[sflag:s21] =	ssyncadd.s32 $0xFFFFC000  }
0x7e: {  	[tilespmem:s29], [sflag:$0x2] =	stream.indirect.gather [hbm4b:s2+s28], $0x80, s6, s28, $0xb8;
	[tilespmem:$0x1E800] =	vst v63  }
0x7f: {  	_ =	swait.ge [sflag:s30], $0x4000  }
0x80: {  	[sflag:s30] =	ssyncset.done $0x0  }
0x81: {  	[sflag:s30] =	ssyncadd.s32 $0xFFFFC000  }
0x82: {  	_ =	swait.ge [sflag:s31], $0x4000  }
0x83: {  	[sflag:s31] =	ssyncset.done $0x0  }
0x84: {  	s8 =	rddreg [dreg:$0x6];
	[sflag:s31] =	ssyncadd.s32 $0xFFFFC000  }
0x85: {  	[tilespmem:s6], [sflag:$0x3] =	stream.linear.gather [hbm4b:s8+s6], $0x1400, $0x38;
	[tilespmem:$0x1E800] =	vst v63  }
0x86: {  	_ =	swait.ge [sflag:s21], $0x1400  }
0x87: {  	[sflag:s21] =	ssyncset.done $0x0  }
0x88: {  	[sflag:s21] =	ssyncadd.s32 $0xFFFFEC00  }
0x89: {  	[tilespmem:s26], [sflag:$0x3] =	stream.linear.gather [hbm4b:s9+s6], $0x1400, $0x38;
	[tilespmem:$0x1E800] =	vst v63  }
0x8a: {  	_ =	swait.ge [sflag:s21], $0x1400  }
0x8b: {  	[sflag:s21] =	ssyncset.done $0x0  }
0x8c: {  	[sflag:s21] =	ssyncadd.s32 $0xFFFFEC00  }
0x8d: {  	[tilespmem:s20], [sflag:$0x1] =	stream.indirect.gather [hbm4b:s2+s28], $0x80, s6, s28, $0xb8;
	[tilespmem:$0x1E800] =	vst v63  }
0x8e: {  	_ = 	snop  }
0x8f: {  	[tilespmem:s29], [sflag:$0x2] =	stream.indirect.gather [hbm4b:s2+s28], $0x80, s28, s28, $0xb8;
	[tilespmem:$0x1E800] =	vst v63  }
0x90: {  	_ =	swait.ge [sflag:s30], $0x4000  }
0x91: {  	[sflag:s30] =	ssyncset.done $0x0  }
0x92: {  	s8 =	simm.s32 $0x1400;
	[sflag:s30] =	ssyncadd.s32 $0xFFFFC000  }
0x93: {  	[spmem:s3] =	stream.indirect.scatter.add.f32 [tilespmem:s20], [sflag:$0x3], $0x80, s8, s28, $0xb8;
	[tilespmem:$0x1E800] =	vst v63  }
0x94: {  	_ =	swait.ge [sflag:s21], $0x4000  }
0x95: {  	[sflag:s21] =	ssyncset.done $0x0  }
0x96: {  	s7 =	simm.s32 $0x100;
	[sflag:s21] =	ssyncadd.s32 $0xFFFFC000  }
0x97: {  	[tilespmem:s20], [sflag:$0x1] =	stream.indirect.gather [hbm4b:s2+s28], $0x80, s7, s28, $0xb8;
	[tilespmem:$0x1E800] =	vst v63  }
0x98: {  	_ =	swait.ge [sflag:s31], $0x4000  }
0x99: {  	[sflag:s31] =	ssyncset.done $0x0  }
0x9a: {  	s8 =	simm.s32 $0x1480;
	[sflag:s31] =	ssyncadd.s32 $0xFFFFC000  }
0x9b: {  	[spmem:s3] =	stream.indirect.scatter.add.f32 [tilespmem:s29], [sflag:$0x3], $0x80, s8, s28, $0xb8;
	[tilespmem:$0x1E800] =	vst v63  }
0x9c: {  	_ =	swait.ge [sflag:s21], $0x4000  }
0x9d: {  	[sflag:s21] =	ssyncset.done $0x0  }
0x9e: {  	s6 =	simm.s32 $0x400;
	s7 =	simm.s32 $0x180;
	[sflag:s21] =	ssyncadd.s32 $0xFFFFC000  }
.LBB2_6:
0x9f: {  	[tilespmem:s29], [sflag:$0x2] =	stream.indirect.gather [hbm4b:s2+s28], $0x80, s7, s28, $0xb8;
	[tilespmem:$0x1E800] =	vst v63  }
0xa0: {  	s7 =	smov.u32 s6  }
0xa1: {  	p0 =	sne.s32 s6, $0x4800;
	s6 =	sadd.s32 $0x400, s6;
	_ =	swait.ge [sflag:s30], $0x4000  }
0xa2: {  	s7 =	sshra.s32 s7, $0x2;
	[sflag:s30] =	ssyncset.done $0x0  }
0xa3: {  	s8 =	sadd.s32 $0x1400, s7;
	[sflag:s30] =	ssyncadd.s32 $0xFFFFC000  }
0xa4: {  	[spmem:s3] =	stream.indirect.scatter.add.f32 [tilespmem:s20], [sflag:$0x3], $0x80, s8, s28, $0xb8;
	[tilespmem:$0x1E800] =	vst v63  }
0xa5: {  	_ =	swait.ge [sflag:s21], $0x4000  }
0xa6: {  	[sflag:s21] =	ssyncset.done $0x0  }
0xa7: {  	s8 =	sadd.s32 $0x100, s7;
	[sflag:s21] =	ssyncadd.s32 $0xFFFFC000  }
0xa8: {  	[tilespmem:s20], [sflag:$0x1] =	stream.indirect.gather [hbm4b:s2+s28], $0x80, s8, s28, $0xb8;
	[tilespmem:$0x1E800] =	vst v63  }
0xa9: {  	_ =	swait.ge [sflag:s31], $0x4000  }
0xaa: {  	[sflag:s31] =	ssyncset.done $0x0  }
.Ltmp2:
0xab: {  	s8 =	sadd.s32 $0x1480, s7;
	[sflag:s31] =	ssyncadd.s32 $0xFFFFC000;
	(pc) =	sbr.rel @p0 .LBB2_6-.Ltmp2, $4  }
0xac: {  	[spmem:s3] =	stream.indirect.scatter.add.f32 [tilespmem:s29], [sflag:$0x3], $0x80, s8, s28, $0xb8;
	[tilespmem:$0x1E800] =	vst v63  }
0xad: {  	_ =	swait.ge [sflag:s21], $0x4000  }
0xae: {  	[sflag:s21] =	ssyncset.done $0x0  }
0xaf: {  	s7 =	sadd.s32 $0x180, s7;
	[sflag:s21] =	ssyncadd.s32 $0xFFFFC000  }
0xb0: {  	[tilespmem:s29], [sflag:$0x2] =	stream.indirect.gather [hbm4b:s2+s28], $0x80, s7, s28, $0xb8;
	[tilespmem:$0x1E800] =	vst v63  }
0xb1: {  	_ =	swait.ge [sflag:s30], $0x4000  }
0xb2: {  	[sflag:s30] =	ssyncset.done $0x0  }
0xb3: {  	[sflag:s30] =	ssyncadd.s32 $0xFFFFC000  }
0xb4: {  	[spmem:s3] =	stream.indirect.scatter.add.f32 [tilespmem:s20], [sflag:$0x3], $0x80, s0, s28, $0xb8;
	[tilespmem:$0x1E800] =	vst v63  }
0xb5: {  	_ =	swait.ge [sflag:s21], $0x4000  }
0xb6: {  	[sflag:s21] =	ssyncset.done $0x0  }
0xb7: {  	s6 =	simm.s32 $0x0;
	[sflag:s21] =	ssyncadd.s32 $0xFFFFC000  }
0xb8: {  	[tilespmem:s20], [sflag:$0x1] =	stream.indirect.gather [hbm4b:s2+s28], $0x80, s6, s28, $0xb8;
	[tilespmem:$0x1E800] =	vst v63  }
0xb9: {  	_ =	swait.ge [sflag:s31], $0x4000  }
0xba: {  	[sflag:s31] =	ssyncset.done $0x0  }
0xbb: {  	[sflag:s31] =	ssyncadd.s32 $0xFFFFC000  }
0xbc: {  	[spmem:s3] =	stream.indirect.scatter.add.f32 [tilespmem:s29], [sflag:$0x3], $0x80, s1, s28, $0xb8;
	[tilespmem:$0x1E800] =	vst v63  }
0xbd: {  	_ =	swait.ge [sflag:s21], $0x4000  }
0xbe: {  	[sflag:s21] =	ssyncset.done $0x0  }
0xbf: {  	[sflag:s21] =	ssyncadd.s32 $0xFFFFC000  }
0xc0: {  	[tilespmem:s29], [sflag:$0x2] =	stream.indirect.gather [hbm4b:s2+s28], $0x80, s6, s28, $0xb8;
	[tilespmem:$0x1E800] =	vst v63  }
0xc1: {  	_ =	swait.ge [sflag:s30], $0x4000  }
0xc2: {  	[sflag:s30] =	ssyncset.done $0x0  }
0xc3: {  	[sflag:s30] =	ssyncadd.s32 $0xFFFFC000  }
0xc4: {  	_ =	swait.ge [sflag:s31], $0x4000  }
0xc5: {  	s7 =	stileid.u32;
	[sflag:s31] =	ssyncset.done $0x0  }
0xc6: {  	s6 =	sshll.u32 s7, $0x6;
	[sflag:s31] =	ssyncadd.s32 $0xFFFFC000  }
0xc7: {  	s8 =	sshrl.u32 s5, $0x3;
	s6 =	sor.u32 $0x1C03, s6;
	[bflag:$0x0] =	sbarrier.arrive $0xFFFF  }
0xc8: {  	[hbm:s10], [sflag:s6] =	dma.local [spmem:s8], $0x800  }
0xc9: {  	_ =	swait.ge [sflag:s21], $0x800  }
0xca: {  	[sflag:s21] =	ssyncset.done $0x0  }
0xcb: {  	[sflag:s21] =	ssyncadd.s32 $0xFFFFF800  }
0xcc: {  	[hbm:s16], [sflag:s6] =	dma.local [spmem:s22], $0x800  }
0xcd: {  	_ =	swait.ge [sflag:s21], $0x800  }
0xce: {  	[sflag:s21] =	ssyncset.done $0x0  }
0xcf: {  	[sflag:s21] =	ssyncadd.s32 $0xFFFFF800  }
0xd0: {  	[hbm:s17], [sflag:s6] =	dma.local [spmem:s23], $0x800  }
0xd1: {  	_ =	swait.ge [sflag:s21], $0x800  }
0xd2: {  	[sflag:s21] =	ssyncset.done $0x0  }
0xd3: {  	[sflag:s21] =	ssyncadd.s32 $0xFFFFF800  }
0xd4: {  	[hbm:s18], [sflag:s6] =	dma.local [spmem:s24], $0x800  }
0xd5: {  	s4 =	sadd.s32 $0x1, s4;
	_ =	swait.ge [sflag:s21], $0x800  }
0xd6: {  	p0 =	sne.s32 s4, s11;
	[sflag:s21] =	ssyncset.done $0x0  }
.Ltmp3:
0xd7: {  	[sflag:s21] =	ssyncadd.s32 $0xFFFFF800;
	(pc) =	sbr.rel @p0 .LBB2_1-.Ltmp3, $4  }
0xd8: {  	[hbm:s19], [sflag:s6] =	dma.local [spmem:s25], $0x800  }
0xd9: {  	_ =	swait.ge [sflag:s21], $0x800  }
0xda: {  	[sflag:s21] =	ssyncset.done $0x0  }
0xdb: {  	[sflag:s21] =	ssyncadd.s32 $0xFFFFF800  }
0xdc: {  	_ =	sfence.sel $0x180000  }
0xdd: {  	[bflag:$0x0] =	sbarrier.arrive $0xFFFF  }
0xde: {  	_ =	strace $0x9000004D  }
0xdf: {  	s0 =	stileid.u32;
	[bflag:$0x2] =	sbarrier.arrive $0xFFFF  }
0xe0: {  	p0 =	sne.s32 s0, $0x0;
	s0 =	rddreg [dreg:$0x3]  }
0xe1: {  	s0 =	sadd.s32 @!p0 $0x100000, s0  }
0xe2: {  	[sflag:s0] =	ssyncadd.tile.s32 @!p0 $0x1;
	_ =	shalt  }
.Lfunc_end2:
_tile_overlayer_lowered:
.L_overlay_start_2:
0xe3: {  	(tag) =	ssettag $0x2  }
0xe4: {  	s0 =	rddreg [dreg:$0x0];
	s2 =	stileid.u32  }
0xe5: {  	s1 =	rddreg [dreg:$0x1];
	p0 =	sne.s32 s2, $0x0  }
0xe6: {  	s3 =	rddreg [dreg:$0x2];
	[bflag:$0x3] =	sbarrier.arrive $0xFFFF;
	s2 =	simm.s32 @!p0 $0x1C03  }
0xe7: {  	[timem:s3], [sflag:s2] =	dma.local @!p0 [hbm:s0], s1  }
0xe8: {  	s0 =	simm.s32 @!p0 $0x3  }
0xe9: {  	_ =	swait.ge @!p0 [sflag:s0], s1  }
0xea: {  	s1 =	ssub.s32 @!p0 $0x0, s1;
	[sflag:s0] =	ssyncset.done @!p0 $0x0  }
0xeb: {  	[sflag:s0] =	ssyncadd.s32 @!p0 s1  }
0xec: {  	[bflag:$0x3] =	sbarrier.arrive $0xFFFF  }
0xed: {  	_ =	shalt  }

// kernel: kernel.7.cloned.1.call-start
scs
__scs_entry_jumppad:
0x0: {  	(pc) =	sbr.rel $0x88, $3  }
0x1: {  	(tag) =	ssettag $0x0;
	lr =	simm.s32 $0x1  }
0x2: {  	[smem:$0x3F9B] =	sst lr;
	_ =	strace $0xD0000000  }
0x3: {  	_ = 	snop  }
0x4: {  	_ = 	snop  }
0x5: {  	_ = 	snop  }
0x6: {  	_ = 	snop  }
0x7: {  	_ = 	snop  }
__scs_overlays_trampoline_lowered:
0x8: {  	[smem:$0x3FAA] =	sst s0  }
0x9: {  	[smem:$0x3FAB] =	sst s1  }
0xa: {  	[smem:$0x3FAC] =	sst s2  }
0xb: {  	[smem:$0x3FAD] =	sst s3  }
0xc: {  	[smem:$0x3FAE] =	sst s4  }
0xd: {  	[smem:$0x3FAF] =	sst s5  }
0xe: {  	[smem:$0x3FB0] =	sst s6  }
0xf: {  	[smem:$0x3FB1] =	sst s7  }
0x10: {  	[smem:$0x3FB2] =	sst s8  }
0x11: {  	[smem:$0x3FB3] =	sst s9;
	s0 =	simm.s32 @!p0 $0x0  }
0x12: {  	s1 =	sld [smem:$0x3F99];
	s0 =	simm.s32 @p0 $0x1  }
0x13: {  	[smem:$0x3FB4] =	sst s0;
	s0 =	simm.s32 @!p1 $0x0  }
0x14: {  	s2 =	sld [smem:$0x3F98];
	s0 =	simm.s32 @p1 $0x1  }
0x15: {  	[smem:$0x3FB5] =	sst s0;
	s0 =	simm.s32 @!p2 $0x0  }
0x16: {  	s3 =	sld [smem:$0x3FDB];
	s0 =	simm.s32 @p2 $0x1  }
0x17: {  	s4 =	simm.s32 $0x1BF5;
	[smem:$0x3FB7] =	sst s0  }
0x18: {  	s0 =	sld [smem:$0x3F9A];
	_ =	swait.ge [sflag:s4], $0x0  }
0x19: {  	s7 =	sld [smem:$0x3F9B]  }
0x1a: {  	s8 =	sadd.s32 $0xFFFFE003, lr  }
0x1b: {  	s9 =	sadd.s32 $0xFFFFFEF7, lr;
	s5 =	simm.s32 $0xFFFFFFFF;
	p2 =	slt.u32 s8, $0xFFFFF086  }
0x1c: {  	p1 =	slt.u32 s9, $0xF7A;
	s5 =	simm.s32 @!p2 $0x0  }
0x1d: {  	s5 =	simm.s32 @p1 $0x1;
	p0 =	seq.s32 s7, s2  }
0x1e: {  	s7 =	smul.u32 @!p0 $0xF7A, s2;
	p2 =	seq.s32 @!p0 s5, $0x0  }
0x1f: {  	s9 =	smul.u32 $0xF7A, s1;
	s8 =	simm.s32 @!p0 $0x1BF5;
	p2 =	por !p2, p0  }
0x20: {  	[sflag:s8] =	ssyncset.s32 @!p0 $0xFFFFF086;
	s6 =	sadd.s32 @!p0 s3, s7;
	s7 =	simm.s32 @!p0 $0x108  }
0x21: {  	s3 =	sadd.s32 s3, s9;
	s6 =	sadd.s32 @!p0 $0x88, s6;
	s7 =	simm.s32 @p2 $0x1082  }
0x22: {  	[simem:s7], [sflag:s8] =	dma.local @!p0 [hbm:s6], $0xF7A  }
0x23: {  	s9 =	sor.u32 $0xD0000000, s2;
	s6 =	simm.s32 $0x108;
	_ =	swait.ge @!p0 [sflag:s8], $0x0  }
0x24: {  	s3 =	sadd.s32 $0x88, s3;
	s6 =	simm.s32 @!p1 $0x1082;
	[sflag:s4] =	ssyncset.s32 $0xFFFFF086  }
0x25: {  	[simem:s6], [sflag:s4] =	dma.local [hbm:s3], $0xF7A  }
0x26: {  	[smem:$0x3F9B] =	sst s1;
	(tag) =	ssettag s2;
	_ =	strace s9  }
0x27: {  	s1 =	sld [smem:$0x3FAB]  }
0x28: {  	s2 =	sld [smem:$0x3FAC]  }
0x29: {  	s4 =	sld [smem:$0x3FAE]  }
0x2a: {  	p0 =	seq.s32 s5, $0x0;
	s5 =	sld [smem:$0x3FAF]  }
0x2b: {  	s6 =	sld [smem:$0x3FB0]  }
0x2c: {  	s7 =	sld [smem:$0x3FB1]  }
0x2d: {  	s3 =	simm.s32 $0x108;
	s8 =	sld [smem:$0x3FB2]  }
0x2e: {  	s3 =	simm.s32 @!p0 $0x1082;
	s9 =	sld [smem:$0x3FB3]  }
0x2f: {  	lr =	sadd.s32 s0, s3;
	s0 =	sld [smem:$0x3FAA]  }
0x30: {  	s3 =	sld [smem:$0x3FAD]  }
0x31: {  	[smem:$0x3FB6] =	sst s10  }
0x32: {  	s10 =	sld [smem:$0x3FB4];
	_ =	sdelay $0x3  }
0x33: {  	p0 =	seq.s32 s10, $0x1;
	s10 =	sld [smem:$0x3FB6];
	_ =	sdelay $0x3  }
0x34: {  	[smem:$0x3FB6] =	sst s10  }
0x35: {  	s10 =	sld [smem:$0x3FB5];
	_ =	sdelay $0x3  }
0x36: {  	p1 =	seq.s32 s10, $0x1;
	s10 =	sld [smem:$0x3FB6];
	_ =	sdelay $0x3  }
0x37: {  	[smem:$0x3FB6] =	sst s10  }
0x38: {  	s10 =	sld [smem:$0x3FB7]  }
0x39: {  	_ = 	snop;
	(pc) =	sbr.ind lr, $3  }
0x3a: {  	_ = 	snop  }
0x3b: {  	_ = 	snop  }
0x3c: {  	p2 =	seq.s32 s10, $0x1;
	s10 =	sld [smem:$0x3FB6]  }
0x3d: {  	_ =	shalt  }
0x3e: {  	_ =	shalt  }
0x3f: {  	_ =	shalt  }
0x40: {  	_ =	shalt  }
0x41: {  	_ =	shalt  }
0x42: {  	_ =	shalt  }
0x43: {  	_ =	shalt  }
0x44: {  	_ =	shalt  }
0x45: {  	_ =	shalt  }
0x46: {  	_ =	shalt  }
0x47: {  	_ =	shalt  }
0x48: {  	_ =	shalt  }
0x49: {  	_ =	shalt  }
0x4a: {  	_ =	shalt  }
0x4b: {  	_ =	shalt  }
0x4c: {  	_ =	shalt  }
0x4d: {  	_ =	shalt  }
0x4e: {  	_ =	shalt  }
0x4f: {  	_ =	shalt  }
0x50: {  	_ =	shalt  }
0x51: {  	_ =	shalt  }
0x52: {  	_ =	shalt  }
0x53: {  	_ =	shalt  }
0x54: {  	_ =	shalt  }
0x55: {  	_ =	shalt  }
0x56: {  	_ =	shalt  }
0x57: {  	_ =	shalt  }
0x58: {  	_ =	shalt  }
0x59: {  	_ =	shalt  }
0x5a: {  	_ =	shalt  }
0x5b: {  	_ =	shalt  }
0x5c: {  	_ =	shalt  }
0x5d: {  	_ =	shalt  }
0x5e: {  	_ =	shalt  }
0x5f: {  	_ =	shalt  }
0x60: {  	_ =	shalt  }
0x61: {  	_ =	shalt  }
0x62: {  	_ =	shalt  }
0x63: {  	_ =	shalt  }
0x64: {  	_ =	shalt  }
0x65: {  	_ =	shalt  }
0x66: {  	_ =	shalt  }
0x67: {  	_ =	shalt  }
0x68: {  	_ =	shalt  }
0x69: {  	_ =	shalt  }
0x6a: {  	_ =	shalt  }
0x6b: {  	_ =	shalt  }
0x6c: {  	_ =	shalt  }
0x6d: {  	_ =	shalt  }
0x6e: {  	_ =	shalt  }
0x6f: {  	_ =	shalt  }
0x70: {  	_ =	shalt  }
0x71: {  	_ =	shalt  }
0x72: {  	_ =	shalt  }
0x73: {  	_ =	shalt  }
0x74: {  	_ =	shalt  }
0x75: {  	_ =	shalt  }
0x76: {  	_ =	shalt  }
0x77: {  	_ =	shalt  }
0x78: {  	_ =	shalt  }
0x79: {  	_ =	shalt  }
0x7a: {  	_ =	shalt  }
0x7b: {  	_ =	shalt  }
0x7c: {  	_ =	shalt  }
0x7d: {  	_ =	shalt  }
0x7e: {  	_ =	shalt  }
0x7f: {  	_ =	shalt  }
0x80: {  	_ =	shalt  }
0x81: {  	_ =	shalt  }
0x82: {  	_ =	shalt  }
0x83: {  	_ =	shalt  }
0x84: {  	_ =	shalt  }
0x85: {  	_ =	shalt  }
0x86: {  	_ =	shalt  }
0x87: {  	_ =	shalt  }
.Lfunc_end0:
.L_simem_size_0:
called_computation_lowered:
.L_overlay_start_0:
0x88: {  	s2 =	sld [smem:$0x3FD9]  }
0x89: {  	s3 =	sld [smem:$0x3FFE];
	_ =	sdelay $0x1  }
0x8a: {  	s1 =	srdreg.scid  }
0x8b: {  	s0 =	sand.u32 $0x1, s1  }
0x8c: {  	s17 =	sshll.u32 s0, $0xA;
	s2 =	sadd.s32 s3, s2  }
0x8d: {  	s2 =	sadd.s32 s2, s17  }
0x8e: {  	[smem:$0x3FC2] =	sst s2  }
0x8f: {  	_ = 	snop  }
0x90: {  	(tm) =	ssettm $0x1  }
0x91: {  	s18 =	sld [smem:$0x3FFB];
	_ =	sdelay $0x3  }
0x92: {  	_ =	strace s18  }
0x93: {  	s2 =	sld [smem:$0x3FFC];
	_ =	sdelay $0x3  }
0x94: {  	_ =	strace s2  }
0x95: {  	s2 =	sld [smem:$0x3FFD];
	_ =	sdelay $0x3  }
0x96: {  	_ =	strace s2  }
0x97: {  	_ =	strace $0x8FFFFFFF  }
0x98: {  	s19 =	sld [smem:$0x3FDB];
	_ =	sdelay $0x1  }
0x99: {  	s20 =	simm.s32 $_scs_section_size  }
0x9a: {  	s4 =	simm.s32 $_size__tile_overlayer_lowered;
	s5 =	simm.s32 $_tile_overlayer_lowered  }
0x9b: {  	s6 =	simm.s32 $0x1BFF;
	s21 =	sshll.u32 s5, $0x1;
	s3 =	sadd.s32 s20, s19  }
0x9c: {  	s22 =	simm.s32 $0x0;
	s4 =	sshll.u32 s4, $0x1;
	s5 =	sadd.s32 s21, s3  }
0x9d: {  	[timem:s22], [sflag:s6] =	dma.local [hbm:s5], s4  }
0x9e: {  	_ =	swait.ge [sflag:s6], s4  }
0x9f: {  	s4 =	ssub.s32 $0x0, s4;
	[sflag:s6] =	ssyncset.done $0x0  }
0xa0: {  	[sflag:s6] =	ssyncadd.s32 s4;
	_ =	sdelay $0x1  }
0xa1: {  	s23 =	simm.s32 $0x1B8B  }
0xa2: {  	_ =	swait.ge [sflag:s23], $0x1  }
0xa3: {  	[sflag:s23] =	ssyncset.done $0x0  }
0xa4: {  	[sflag:s23] =	ssyncadd.s32 $0xFFFFFFFF  }
0xa5: {  	s4 =	sld [smem:$0x0]  }
0xa6: {  	s5 =	sand.u32 $0xFFFFFFFE, s1  }
0xa7: {  	p0 =	sne.s32 s1, s5  }
0xa8: {  	s5 =	sshll.u32 @p0 s5, $0xE  }
0xa9: {  	s5 =	sadd.s32 @p0 $0x11B8D, s5;
	s6 =	sshll.u32 @p0 s4, $0x11  }
0xaa: {  	s5 =	sor.u32 @p0 s6, s5  }
0xab: {  	[sflag:s5] =	ssyncadd.remote.s32 @p0 $0x1;
	_ =	sdelay $0x1  }
0xac: {  	s5 =	simm.s32 @p0 $0x1B8D  }
0xad: {  	_ =	swait.eq @p0 [sflag:s5], $0x1  }
0xae: {  	[sflag:s5] =	ssyncadd.s32 @p0 $0xFFFFFFFF  }
0xaf: {  	s6 =	sshll.u32 @!p0 s1, $0xE  }
0xb0: {  	s6 =	sor.u32 @!p0 $0x4000, s6;
	s5 =	simm.s32 @!p0 $0x1B8D  }
0xb1: {  	s4 =	sshll.u32 @!p0 s4, $0x11;
	s6 =	sadd.s32 @!p0 $0x11B8D, s6;
	_ =	swait.eq @!p0 [sflag:s5], $0x1  }
0xb2: {  	s4 =	sor.u32 @!p0 s4, s6;
	[sflag:s5] =	ssyncadd.s32 @!p0 $0xFFFFFFFF  }
0xb3: {  	s25 =	simm.s32 $0x1B8E;
	s24 =	sld [smem:$0x3FFE];
	[sflag:s4] =	ssyncadd.remote.s32 @!p0 $0x1  }
0xb4: {  	s26 =	simm.s32 $execute0_lowered;
	[smem:$0x3FD2] =	sst s25  }
0xb5: {  	s5 =	sshll.u32 s26, $0x1;
	_ =	strace $0x80000049;
	[dreg:$0x1] =	wrdreg $0xFFFFFFFF  }
0xb6: {  	s28 =	simm.s32 $_size_execute0_lowered;
	s3 =	sadd.s32 s3, s5;
	[dreg:$0x0] =	wrdreg $0x0  }
0xb7: {  	s5 =	sshll.u32 s28, $0x1;
	[dreg:$0x2] =	wrdreg s3  }
0xb8: {  	[dreg:$0x3] =	wrdreg s5  }
0xb9: {  	[dreg:$0x4] =	wrdreg $0xC0  }
0xba: {  	_ =	task [dreg:s22], $0x5FFFF  }
0xbb: {  	[dreg:$0x1] =	wrdreg $0xFFFFFFFF  }
0xbc: {  	[dreg:$0x0] =	wrdreg $0x60  }
0xbd: {  	[dreg:$0x2] =	wrdreg s24  }
0xbe: {  	[dreg:$0x3] =	wrdreg $0x68000  }
0xbf: {  	[dreg:$0x4] =	wrdreg $0x9  }
0xc0: {  	_ =	task.clear_ibuf [dreg:s22], $0x5FFFF;
	_ =	strace $0x90000049  }
0xc1: {  	s29 =	simm.s32 $0x9;
	_ =	strace $0x8000004B  }
0xc2: {  	_ =	swait.ge [sflag:s29], $0x1  }
0xc3: {  	[sflag:s29] =	ssyncadd.s32 $0xFFFFFFFF  }
0xc4: {  	_ =	strace $0x9000004B  }
0xc5: {  	_ =	sfence  }
0xc6: {  	s30 =	sld [smem:$0x0];
	_ =	sdelay $0x2  }
0xc7: {  	s31 =	sshll.u32 s1, $0xD;
	s1 =	sshrl.u32 s1, $0x2  }
0xc8: {  	s4 =	sand.u32 $0x4000, s31;
	s1 =	sadd.s32 s1, s30  }
0xc9: {  	s0 =	sor.u32 s4, s0;
	s1 =	sshll.u32 s1, $0x11  }
0xca: {  	s0 =	sor.u32 s1, s0  }
0xcb: {  	s0 =	sadd.s32 $0x8F2B, s0  }
0xcc: {  	[sflag:s0] =	ssyncadd.remote.s32 $0x1  }
0xcd: {  	_ =	sfence.sel $0xFFFF  }
0xce: {  	[dreg:$0x0] =	wrdreg $0xFFFFFFFF;
	(pc) =	sbr.abs _section_cstart, $3  }
0xcf: {  	[dreg:$0x1] =	wrdreg $0xFFFFFFFF  }
0xd0: {  	_ =	task.clear_ibuf [dreg:s22], $0x2FFFF;
	_ =	strace $0x9FFFFFFF  }
0xd1: {  	(tm) =	ssettm $0x7FFFFFFF  }
tec
execute0_lowered:
.L_overlay_start_1:
0x0: {  	(tag) =	ssettag $0x1  }
0x1: {  	s5 =	rddreg [dreg:$0x0]  }
0x2: {  	s0 =	srdreg.scid;
	s2 =	rddreg [dreg:$0x1]  }
0x3: {  	s3 =	simm.s32 $0x0;
	s4 =	sand.u32 $0x1, s0;
	s0 =	stileid.u32  }
0x4: {  	[smem:$0x7FF] =	sst s3;
	s14 =	smul.u32 $0x140000, s4  }
0x5: {  	s15 =	sadd.s32 $0x67000, s5;
	s1 =	sshll.u32 s4, $0x4;
	s13 =	smul.u32 $0x14000, s0  }
0x6: {  	s4 =	ssub.s32 $0x2, s4;
	s7 =	smul.u32 $0x50000, s0;
	s6 =	sor.u32 s0, s1  }
0x7: {  	s1 =	rddreg [dreg:$0x2];
	_ =	strace $0x8000004A;
	s25 =	sshrl.u32 s4, $0x1  }
0x8: {  	s6 =	smul.u32 $0x500, s6;
	s8 =	sadd.s32 s14, s13;
	s9 =	ssub.s32 s4, s25  }
0x9: {  	s26 =	sshrl.u32 s7, $0x2;
	s16 =	sadd.s32 $0x4000, s13;
	s17 =	sadd.s32 $0x8000, s13  }
0xa: {  	s18 =	sadd.s32 $0xC000, s13;
	s20 =	sadd.s32 $0x10000, s13;
	s28 =	sshrl.u32 s8, $0x3  }
0xb: {  	s7 =	smax.u32 s9, $0x1;
	s12 =	sadd.s32 s14, s16;
	s19 =	sadd.s32 s16, s2  }
0xc: {  	s29 =	sadd.s32 s14, s17;
	s30 =	sadd.s32 s14, s18;
	s14 =	sadd.s32 s14, s20  }
0xd: {  	s21 =	sadd.s32 s17, s2;
	s22 =	sadd.s32 s18, s2;
	s23 =	sadd.s32 s20, s2  }
0xe: {  	s17 =	simm.s32 $0x2800;
	s18 =	simm.s32 $0x80;
	s6 =	sadd.s32 s6, s5  }
0xf: {  	s5 =	sadd.s32 s26, s2;
	s12 =	sshrl.u32 s12, $0x3;
	s16 =	sshrl.u32 s29, $0x3  }
0x10: {  	s31 =	sshrl.u32 s14, $0x3;
	s19 =	sshrl.u32 s19, $0x3;
	s20 =	sshrl.u32 s21, $0x3  }
0x11: {  	s21 =	sshrl.u32 s22, $0x3;
	s22 =	sshrl.u32 s23, $0x3;
	s23 =	simm.s32 $0x0  }
0x12: {  	s4 =	sadd.s32 $0xD000, s6;
	s6 =	sadd.s32 s15, s28;
	s8 =	sadd.s32 $0x4000, s5  }
0x13: {  	s9 =	sadd.s32 $0x8000, s5;
	s10 =	sadd.s32 $0xC000, s5;
	s11 =	sadd.s32 $0x10000, s5  }
0x14: {  	s12 =	sadd.s32 s15, s12;
	s13 =	sadd.s32 s15, s16;
	s16 =	sshrl.u32 s30, $0x3  }
0x15: {  	v0 =	vimm.f32 $0.0e+00;
	v1 =	vimm.f32 $1.000000000e+00;
	s14 =	sadd.s32 s15, s16;
	s15 =	sadd.s32 s15, s31;
	s16 =	simm.s32 $0x1  }
.LBB2_1:
0x16: {  	[tilespmem:s3], [sflag:$0x1] =	stream.linear.gather [hbm4b:s4+s3], $0x2800, $0x38;
	[tilespmem:$0x1A800] =	vst v63  }
0x17: {  	_ =	swait.ge [sflag:s16], $0x2800  }
0x18: {  	[sflag:s16] =	ssyncset.done $0x0  }
0x19: {  	s24 =	simm.s32 $0x0;
	s25 =	simm.s32 $0x200;
	[sflag:s16] =	ssyncadd.s32 $0xFFFFD800  }
.LBB2_2:
0x1a: {  	p0 =	sne.s32 s25, $0xFE00;
	[tilespmem:s24+$0x2870] =	vst v0  }
0x1b: {  	[tilespmem:s24+$0x2800] =	vst v0  }
0x1c: {  	[tilespmem:s24+$0x2810] =	vst v0  }
.Ltmp0:
0x1d: {  	[tilespmem:s24+$0x2820] =	vst v0;
	(pc) =	sbr.rel @p0 .LBB2_2-.Ltmp0, $4  }
0x1e: {  	[tilespmem:s24+$0x2830] =	vst v0  }
0x1f: {  	[tilespmem:s24+$0x2840] =	vst v0  }
0x20: {  	[tilespmem:s24+$0x2850] =	vst v0  }
0x21: {  	[tilespmem:s24+$0x2860] =	vst v0;
	s24 =	sshra.s32 s25, $0x2;
	s25 =	sadd.s32 $0x200, s25  }
0x22: {  	[tilespmem:s24+$0x2870] =	vst v0  }
0x23: {  	[tilespmem:s24+$0x2800] =	vst v0  }
0x24: {  	[tilespmem:s24+$0x2810] =	vst v0  }
0x25: {  	[tilespmem:s24+$0x2820] =	vst v0  }
0x26: {  	[tilespmem:s24+$0x2830] =	vst v0  }
0x27: {  	[tilespmem:s24+$0x2840] =	vst v0  }
0x28: {  	[tilespmem:s24+$0x2850] =	vst v0  }
0x29: {  	[tilespmem:s24+$0x2860] =	vst v0  }
0x2a: {  	[spmem:s5] =	stream.linear.scatter [tilespmem:s17], [sflag:$0x1], $0x4000, $0x38;
	[tilespmem:$0x1A800] =	vst v63  }
0x2b: {  	_ =	swait.ge [sflag:s16], $0x4000  }
0x2c: {  	[sflag:s16] =	ssyncset.done $0x0  }
0x2d: {  	[sflag:s16] =	ssyncadd.s32 $0xFFFFC000  }
0x2e: {  	[spmem:s8] =	stream.linear.scatter [tilespmem:s17], [sflag:$0x1], $0x4000, $0x38;
	[tilespmem:$0x1A800] =	vst v63  }
0x2f: {  	_ =	swait.ge [sflag:s16], $0x4000  }
0x30: {  	[sflag:s16] =	ssyncset.done $0x0  }
0x31: {  	[sflag:s16] =	ssyncadd.s32 $0xFFFFC000  }
0x32: {  	[spmem:s9] =	stream.linear.scatter [tilespmem:s17], [sflag:$0x1], $0x4000, $0x38;
	[tilespmem:$0x1A800] =	vst v63  }
0x33: {  	_ =	swait.ge [sflag:s16], $0x4000  }
0x34: {  	[sflag:s16] =	ssyncset.done $0x0  }
0x35: {  	[sflag:s16] =	ssyncadd.s32 $0xFFFFC000  }
0x36: {  	[spmem:s10] =	stream.linear.scatter [tilespmem:s17], [sflag:$0x1], $0x4000, $0x38;
	[tilespmem:$0x1A800] =	vst v63  }
0x37: {  	_ =	swait.ge [sflag:s16], $0x4000  }
0x38: {  	[sflag:s16] =	ssyncset.done $0x0  }
0x39: {  	[sflag:s16] =	ssyncadd.s32 $0xFFFFC000  }
0x3a: {  	[spmem:s11] =	stream.linear.scatter [tilespmem:s17], [sflag:$0x1], $0x4000, $0x38;
	[tilespmem:$0x1A800] =	vst v63  }
0x3b: {  	_ =	swait.ge [sflag:s16], $0x4000  }
0x3c: {  	[sflag:s16] =	ssyncset.done $0x0  }
0x3d: {  	s24 =	simm.s32 $0x0;
	s25 =	simm.s32 $0x200;
	[sflag:s16] =	ssyncadd.s32 $0xFFFFC000  }
.LBB2_4:
0x3e: {  	p0 =	sne.s32 s25, $0xFE00;
	[tilespmem:s24+$0x2870] =	vst v1  }
0x3f: {  	[tilespmem:s24+$0x2800] =	vst v1  }
0x40: {  	[tilespmem:s24+$0x2810] =	vst v1  }
.Ltmp1:
0x41: {  	[tilespmem:s24+$0x2820] =	vst v1;
	(pc) =	sbr.rel @p0 .LBB2_4-.Ltmp1, $4  }
0x42: {  	[tilespmem:s24+$0x2830] =	vst v1  }
0x43: {  	[tilespmem:s24+$0x2840] =	vst v1  }
0x44: {  	[tilespmem:s24+$0x2850] =	vst v1  }
0x45: {  	[tilespmem:s24+$0x2860] =	vst v1;
	s24 =	sshra.s32 s25, $0x2;
	s25 =	sadd.s32 $0x200, s25  }
0x46: {  	[tilespmem:s24+$0x2870] =	vst v1  }
0x47: {  	[tilespmem:s24+$0x2800] =	vst v1  }
0x48: {  	[tilespmem:s24+$0x2810] =	vst v1  }
0x49: {  	[tilespmem:s24+$0x2820] =	vst v1  }
0x4a: {  	[tilespmem:s24+$0x2830] =	vst v1  }
0x4b: {  	[tilespmem:s24+$0x2840] =	vst v1  }
0x4c: {  	[tilespmem:s24+$0x2850] =	vst v1  }
0x4d: {  	[tilespmem:s24+$0x2860] =	vst v1  }
0x4e: {  	s31 =	simm.s32 $0x0;
	[bflag:$0x0] =	sbarrier.arrive $0xFFFF  }
0x4f: {  	[spmem:s2] =	stream.indirect.scatter.add.f32 [tilespmem:s17], [sflag:$0x1], $0x80, s31, s18, $0xb8;
	[tilespmem:$0x1A800] =	vst v63  }
0x50: {  	_ =	swait.ge [sflag:s16], $0x4000  }
0x51: {  	s24 =	simm.s32 $0x200;
	[sflag:s16] =	ssyncset.done $0x0  }
.LBB2_6:
0x52: {  	s25 =	sshra.s32 s24, $0x2;
	[sflag:s16] =	ssyncadd.s32 $0xFFFFC000;
	p0 =	sne.s32 s24, $0x9E00  }
0x53: {  	[spmem:s2] =	stream.indirect.scatter.add.f32 [tilespmem:s17], [sflag:$0x1], $0x80, s25, s18, $0xb8;
	[tilespmem:$0x1A800] =	vst v63  }
.Ltmp2:
0x54: {  	_ = 	snop;
	(pc) =	sbr.rel @p0 .LBB2_6-.Ltmp2, $4  }
0x55: {  	_ = 	snop  }
0x56: {  	s24 =	sadd.s32 $0x200, s24  }
0x57: {  	_ =	swait.ge [sflag:s16], $0x4000  }
0x58: {  	[sflag:s16] =	ssyncset.done $0x0  }
0x59: {  	[sflag:s16] =	ssyncadd.s32 $0xFFFFC000;
	s24 =	sshll.u32 s0, $0x6  }
0x5a: {  	s25 =	sshrl.u32 s5, $0x3;
	[bflag:$0x0] =	sbarrier.arrive $0xFFFF;
	s24 =	sor.u32 $0x1C01, s24  }
0x5b: {  	[hbm:s6], [sflag:s24] =	dma.local [spmem:s25], $0x800  }
0x5c: {  	_ =	swait.ge [sflag:s16], $0x800  }
0x5d: {  	[sflag:s16] =	ssyncset.done $0x0  }
0x5e: {  	[sflag:s16] =	ssyncadd.s32 $0xFFFFF800  }
0x5f: {  	[hbm:s12], [sflag:s24] =	dma.local [spmem:s19], $0x800  }
0x60: {  	_ =	swait.ge [sflag:s16], $0x800  }
0x61: {  	[sflag:s16] =	ssyncset.done $0x0  }
0x62: {  	[sflag:s16] =	ssyncadd.s32 $0xFFFFF800  }
0x63: {  	[hbm:s13], [sflag:s24] =	dma.local [spmem:s20], $0x800  }
0x64: {  	_ =	swait.ge [sflag:s16], $0x800  }
0x65: {  	[sflag:s16] =	ssyncset.done $0x0  }
0x66: {  	[sflag:s16] =	ssyncadd.s32 $0xFFFFF800  }
0x67: {  	[hbm:s14], [sflag:s24] =	dma.local [spmem:s21], $0x800  }
0x68: {  	s23 =	sadd.s32 $0x1, s23;
	_ =	swait.ge [sflag:s16], $0x800  }
0x69: {  	p0 =	sne.s32 s23, s7;
	[sflag:s16] =	ssyncset.done $0x0  }
.Ltmp3:
0x6a: {  	[sflag:s16] =	ssyncadd.s32 $0xFFFFF800;
	(pc) =	sbr.rel @p0 .LBB2_1-.Ltmp3, $4  }
0x6b: {  	[hbm:s15], [sflag:s24] =	dma.local [spmem:s22], $0x800  }
0x6c: {  	_ =	swait.ge [sflag:s16], $0x800  }
0x6d: {  	[sflag:s16] =	ssyncset.done $0x0  }
0x6e: {  	[sflag:s16] =	ssyncadd.s32 $0xFFFFF800  }
0x6f: {  	_ =	sfence.sel $0x180000  }
0x70: {  	[bflag:$0x0] =	sbarrier.arrive $0xFFFF  }
0x71: {  	p0 =	sne.s32 s0, $0x0;
	_ =	strace $0x9000004A  }
0x72: {  	s0 =	sadd.s32 @!p0 $0x100000, s1;
	[bflag:$0x2] =	sbarrier.arrive $0xFFFF  }
0x73: {  	[sflag:s0] =	ssyncadd.tile.s32 @!p0 $0x1;
	_ =	shalt  }
.Lfunc_end2:
_tile_overlayer_lowered:
.L_overlay_start_2:
0x74: {  	(tag) =	ssettag $0x2  }
0x75: {  	s0 =	rddreg [dreg:$0x0];
	s2 =	stileid.u32  }
0x76: {  	s1 =	rddreg [dreg:$0x1];
	p0 =	sne.s32 s2, $0x0  }
0x77: {  	s3 =	rddreg [dreg:$0x2];
	[bflag:$0x3] =	sbarrier.arrive $0xFFFF;
	s2 =	simm.s32 @!p0 $0x1C01  }
0x78: {  	[timem:s3], [sflag:s2] =	dma.local @!p0 [hbm:s0], s1  }
0x79: {  	s0 =	simm.s32 @!p0 $0x1  }
0x7a: {  	_ =	swait.ge @!p0 [sflag:s0], s1  }
0x7b: {  	s1 =	ssub.s32 @!p0 $0x0, s1;
	[sflag:s0] =	ssyncset.done @!p0 $0x0  }
0x7c: {  	[sflag:s0] =	ssyncadd.s32 @!p0 s1  }
0x7d: {  	[bflag:$0x3] =	sbarrier.arrive $0xFFFF  }
0x7e: {  	_ =	shalt  }

</sc_bundles>
